<compile_context>
chip_gen: v7x
topology: tpu7x:2x2x1
jax: 0.10.2.dev20260603
libtpu: 0.0.44.dev20260713+nightly
codegen_flags: <defaults>
</compile_context>

<pallas_src>
import functools

import jax
import jax.numpy as jnp
from jax import lax
from jax.experimental import pallas as pl
from jax.experimental.pallas import tpu as pltpu
from jax.experimental.pallas import tpu_sc as plsc

_EPS = 1e-06
_NC = 2
_NS = 16


def _proj_body(scores_ref, values_ref, mask_ref, w_ref, b_ref, out_ref):
    s = scores_ref[...]
    v = values_ref[...]
    weighted = jnp.sum(s[:, :, None] * v, axis=1)
    proj = jnp.dot(weighted, w_ref[...],
                   preferred_element_type=jnp.float32)
    out_ref[...] = (proj + b_ref[...]) * mask_ref[...]


def _project(scores, values, mask, W, b):
    M, K, R = values.shape
    D = W.shape[1]
    BM = 256
    return pl.pallas_call(
        _proj_body,
        grid=(M // BM,),
        in_specs=[
            pl.BlockSpec((BM, K), lambda i: (i, 0)),
            pl.BlockSpec((BM, K, R), lambda i: (i, 0, 0)),
            pl.BlockSpec((BM, 1), lambda i: (i, 0)),
            pl.BlockSpec((R, D), lambda i: (0, 0)),
            pl.BlockSpec((1, D), lambda i: (0, 0)),
        ],
        out_specs=pl.BlockSpec((BM, D), lambda i: (i, 0)),
        out_shape=jax.ShapeDtypeStruct((M, D), jnp.float32),
    )(scores, values, mask.reshape(M, 1), W, b.reshape(1, D))


def _ln_body(x_ref, g_ref, b_ref, o_ref):
    x = x_ref[...]
    mean = jnp.mean(x, axis=-1, keepdims=True)
    xc = x - mean
    var = jnp.mean(xc * xc, axis=-1, keepdims=True)
    o_ref[...] = xc * lax.rsqrt(var + _EPS) * g_ref[...] + b_ref[...]


def _layernorm(x, g, b, block_rows):
    N, D = x.shape
    return pl.pallas_call(
        _ln_body,
        grid=(N // block_rows,),
        in_specs=[
            pl.BlockSpec((block_rows, D), lambda i: (i, 0)),
            pl.BlockSpec((1, D), lambda i: (0, 0)),
            pl.BlockSpec((1, D), lambda i: (0, 0)),
        ],
        out_specs=pl.BlockSpec((block_rows, D), lambda i: (i, 0)),
        out_shape=jax.ShapeDtypeStruct((N, D), jnp.float32),
    )(x, g.reshape(1, D), b.reshape(1, D))


def _sc_aggregate(enc2d, proj, rows):
    BT = enc2d.shape[0]
    M, D = proj.shape
    CCH = 128
    cols_per_core = D // _NC
    n_chunks = cols_per_core // CCH
    m_per_tile = M // _NS
    r_per_tile = BT // _NS

    mesh = plsc.VectorSubcoreMesh(core_axis_name="c", subcore_axis_name="s")

    @functools.partial(
        pl.kernel,
        out_type=jax.ShapeDtypeStruct((M, D), jnp.float32),
        mesh=mesh,
        scratch_types=[
            pltpu.VMEM_SHARED((BT, CCH), jnp.float32),
            pltpu.VMEM((m_per_tile, CCH), jnp.float32),
            pltpu.VMEM((m_per_tile, CCH), jnp.float32),
            pltpu.VMEM((m_per_tile,), jnp.int32),
            pltpu.SemaphoreType.DMA,
        ],
    )
    def k(enc_hbm, proj_hbm, rows_hbm, comp_hbm, slab, ev, pv, idx_v, sem0):
        c = lax.axis_index("c")
        s = lax.axis_index("s")
        m0 = pl.multiple_of(s * m_per_tile, m_per_tile)
        r0 = pl.multiple_of(s * r_per_tile, r_per_tile)
        pltpu.sync_copy(rows_hbm.at[pl.ds(m0, m_per_tile)], idx_v)
        for ch in range(n_chunks):
            c0 = pl.multiple_of(c * cols_per_core + ch * CCH, CCH)
            pending = pltpu.async_copy(
                enc_hbm.at[pl.ds(r0, r_per_tile), pl.ds(c0, CCH)],
                slab.at[pl.ds(r0, r_per_tile)],
                sem0,
            )
            pltpu.sync_copy(
                proj_hbm.at[pl.ds(m0, m_per_tile), pl.ds(c0, CCH)], pv)
            pending.wait()
            plsc.subcore_barrier()
            pltpu.sync_copy(pv, slab.at[idx_v], add=True)
            plsc.subcore_barrier()
            pltpu.sync_copy(slab.at[idx_v], ev)
            pltpu.sync_copy(
                ev, comp_hbm.at[pl.ds(m0, m_per_tile), pl.ds(c0, CCH)])
            plsc.subcore_barrier()

    return k(enc2d, proj, rows)


def _sc_patch(ln_compact, rows, out_ref):
    M, D = ln_compact.shape
    m_per_w = M // (_NC * _NS)

    mesh = plsc.VectorSubcoreMesh(core_axis_name="c", subcore_axis_name="s")

    @functools.partial(
        pl.kernel,
        out_type=(),
        mesh=mesh,
        scratch_types=[
            pltpu.VMEM((m_per_w, D), jnp.float32),
            pltpu.VMEM((m_per_w,), jnp.int32),
        ],
    )
    def k(lnc_hbm, rows_hbm, out_hbm, xv, idx_v):
        c = lax.axis_index("c")
        s = lax.axis_index("s")
        w = s * _NC + c
        m0 = pl.multiple_of(w * m_per_w, m_per_w)
        pltpu.sync_copy(rows_hbm.at[pl.ds(m0, m_per_w)], idx_v)
        pltpu.sync_copy(lnc_hbm.at[pl.ds(m0, m_per_w)], xv)
        pltpu.sync_copy(xv, out_hbm.at[idx_v])

    k(ln_compact, rows, out_ref)


def kernel(encoded_input, retrieval_values, retrieval_scores,
           mention_batch_positions, mention_start_positions,
           mention_end_positions, mention_mask, deterministic,
           W, b, ln_scale, ln_bias):
    B, T, D = encoded_input.shape
    BT = B * T
    rows = (mention_batch_positions.astype(jnp.int32) * T
            + mention_start_positions.astype(jnp.int32))
    proj = _project(retrieval_scores, retrieval_values, mention_mask, W, b)
    enc2d = encoded_input.reshape(BT, D)
    ln_base = _layernorm(enc2d, ln_scale, ln_bias, 512)
    compact = _sc_aggregate(enc2d, proj, rows)
    ln_compact = _layernorm(compact, ln_scale, ln_bias, 512)
    out_ref = jax.new_ref(ln_base)
    _sc_patch(ln_compact, rows, out_ref)
    return out_ref[...].reshape(B, T, D)

# --- scband reference (transcript-rebuilt; emitter-appended) ---
"""Pipeline reference for scband-additive-update-44341242364186 (READ-ONLY COPY).

The authoritative reference and input builder live on the scoring server;
editing this copy changes nothing except your own understanding.
"""

import jax, jax.numpy as jnp
import numpy as np

B, T, D = 4, 2048, 1024
M, K, R = 2048, 32, 128
EPS = 1e-06

def setup_inputs(seed: int = 0):
    key = jax.random.key(seed)
    ks = jax.random.split(key, 8)
    encoded_input = jax.random.normal(ks[0], (B, T, D), dtype=jnp.float32)
    retrieval_values = jax.random.normal(ks[1], (M, K, R), dtype=jnp.float32)
    retrieval_scores = jax.random.uniform(ks[2], (M, K), dtype=jnp.float32)
    mention_batch_positions = jax.random.randint(ks[3], (M,), 0, B)
    mention_start_positions = jax.random.randint(ks[4], (M,), 0, T)
    mention_end_positions = jax.random.randint(ks[5], (M,), 0, T)
    mention_mask = jnp.ones((M,), dtype=jnp.float32)
    W = jax.random.normal(ks[6], (R, D), dtype=jnp.float32) * 0.02
    b = jnp.zeros((D,), dtype=jnp.float32)
    ln_scale = jnp.ones((D,), dtype=jnp.float32)
    ln_bias = jnp.zeros((D,), dtype=jnp.float32)
    return {"encoded_input": encoded_input, "retrieval_values": retrieval_values, "retrieval_scores": retrieval_scores, "mention_batch_positions": mention_batch_positions, "mention_start_positions": mention_start_positions, "mention_end_positions": mention_end_positions, "mention_mask": mention_mask, "deterministic": True, "W": W, "b": b, "ln_scale": ln_scale, "ln_bias": ln_bias}

def reference(encoded_input, retrieval_values, retrieval_scores, mention_batch_positions, mention_start_positions, mention_end_positions, mention_mask, deterministic, W, b, ln_scale, ln_bias):
    # weighted sum of retrieved values per mention
    weighted_values = jnp.einsum('qk,qkd->qd', retrieval_scores, retrieval_values)
    # dense projection retrieval_dim -> input_dim
    projected_values = weighted_values @ W + b
    # mask padding mentions
    projected_values = projected_values * mention_mask.reshape(-1, 1)
    # matmul_2d_index_add: scatter-add into (batch_pos, start_pos) token slots
    updated = encoded_input.at[mention_batch_positions, mention_start_positions].add(projected_values)
    # layer norm over hidden dim
    mean = jnp.mean(updated, axis=-1, keepdims=True)
    var = jnp.var(updated, axis=-1, keepdims=True)
    normed = (updated - mean) / jnp.sqrt(var + EPS)
    return normed * ln_scale + ln_bias

if __name__ == "__main__":
    import jax
    _d = setup_inputs()
    print(jax.jit(kernel)(*tuple(_d.values())))

</pallas_src>

<mosaic_0001>
#map = affine_map<(d0, d1) -> (0, 0)>
#map1 = affine_map<(d0, d1) -> (0)>
module attributes {stable_mosaic.version = 14 : i64} {
  func.func @k(%arg0: i32, %arg1: i32, %arg2: memref<8192x1024xf32, #tpu.memory_space<hbm>>, %arg3: memref<2048x1024xf32, #tpu.memory_space<hbm>>, %arg4: memref<2048xi32, #tpu.memory_space<hbm>>, %arg5: memref<2048x1024xf32, #tpu.memory_space<hbm>>, %arg6: memref<8192x128xf32, #tpu.memory_space<vmem_shared>>, %arg7: memref<128x128xf32, #tpu.memory_space<vmem>>, %arg8: memref<128x128xf32, #tpu.memory_space<vmem>>, %arg9: memref<128xi32, #tpu.memory_space<vmem>>, %arg10: memref<!tpu.dma_semaphore, #tpu.memory_space<semaphore_mem>>) attributes {dimension_semantics = [#tpu.dimension_semantics<core_parallel>, #tpu.dimension_semantics<subcore_parallel>], iteration_bounds = array<i64: 2, 16>, scalar_prefetch = 0 : i64, scratch_operands = 5 : i64, tpu.core_type = #tpu.core_type<sc_vector_subcore>, window_params = [{transform_indices = #map}, {transform_indices = #map}, {transform_indices = #map1}, {transform_indices = #map}]} {
    %mul3A = arith.constant 128 : i32
    %mul3A_0 = arith.muli %arg1, %mul3A : i32
    %multiple_of3A = tpu.assume_multiple %mul3A_0, 128 : i32
    %mul3A_1 = arith.constant 512 : i32
    %mul3A_2 = arith.muli %arg1, %mul3A_1 : i32
    %multiple_of3A_3 = tpu.assume_multiple %mul3A_2, 512 : i32
    "tpu.region"() ({
      %run_scoped3A = tpu.sem_alloc : memref<!tpu.dma_semaphore, #tpu.memory_space<semaphore_mem>>
      %dma_start3A_56 = tpu.memref_slice %arg4[%multiple_of3A] : memref<2048xi32, #tpu.memory_space<hbm>> -> memref<128xi32, #tpu.memory_space<hbm>>
      %dma_start3A_57 = tpu.memref_slice %arg4[%multiple_of3A] : memref<2048xi32, #tpu.memory_space<hbm>> -> memref<128xi32, #tpu.memory_space<hbm>>
      tpu.enqueue_dma source(%dma_start3A_57 : memref<128xi32, #tpu.memory_space<hbm>>) target(%arg9 : memref<128xi32, #tpu.memory_space<vmem>>) target_semaphore(%run_scoped3A : memref<!tpu.dma_semaphore, #tpu.memory_space<semaphore_mem>>)
      %dma_wait3A_58 = tpu.memref_slice %arg4[%multiple_of3A] : memref<2048xi32, #tpu.memory_space<hbm>> -> memref<128xi32, #tpu.memory_space<hbm>>
      %dma_wait3A_59 = tpu.memref_slice %arg4[%multiple_of3A] : memref<2048xi32, #tpu.memory_space<hbm>> -> memref<128xi32, #tpu.memory_space<hbm>>
      tpu.wait_dma2 semaphore(%run_scoped3A : memref<!tpu.dma_semaphore, #tpu.memory_space<semaphore_mem>>) src(%dma_wait3A_59 : memref<128xi32, #tpu.memory_space<hbm>>) dst(%arg9 : memref<128xi32, #tpu.memory_space<vmem>>)
      tpu.yield
    }) : () -> ()
    %mul3A_4 = arith.constant 512 : i32
    %mul3A_5 = arith.muli %arg0, %mul3A_4 : i32
    %add3A = arith.constant 0 : i32
    %add3A_6 = arith.addi %mul3A_5, %add3A : i32
    %multiple_of3A_7 = tpu.assume_multiple %add3A_6, 128 : i32
    %dma_start3A = arith.constant 0 : i32
    %dma_start3A_8 = tpu.memref_slice %arg6[%multiple_of3A_3, %dma_start3A] : memref<8192x128xf32, #tpu.memory_space<vmem_shared>> -> memref<512x128xf32, #tpu.memory_space<vmem_shared>>
    %dma_start3A_9 = tpu.memref_slice %arg2[%multiple_of3A_3, %multiple_of3A_7] : memref<8192x1024xf32, #tpu.memory_space<hbm>> -> memref<512x128xf32, #tpu.memory_space<hbm>>
    tpu.enqueue_dma source(%dma_start3A_9 : memref<512x128xf32, #tpu.memory_space<hbm>>) target(%dma_start3A_8 : memref<512x128xf32, #tpu.memory_space<vmem_shared>>) target_semaphore(%arg10 : memref<!tpu.dma_semaphore, #tpu.memory_space<semaphore_mem>>)
    "tpu.region"() ({
      %run_scoped3A = tpu.sem_alloc : memref<!tpu.dma_semaphore, #tpu.memory_space<semaphore_mem>>
      %dma_start3A_56 = tpu.memref_slice %arg3[%multiple_of3A, %multiple_of3A_7] : memref<2048x1024xf32, #tpu.memory_space<hbm>> -> memref<128x128xf32, #tpu.memory_space<hbm>>
      %dma_start3A_57 = tpu.memref_slice %arg3[%multiple_of3A, %multiple_of3A_7] : memref<2048x1024xf32, #tpu.memory_space<hbm>> -> memref<128x128xf32, #tpu.memory_space<hbm>>
      tpu.enqueue_dma source(%dma_start3A_57 : memref<128x128xf32, #tpu.memory_space<hbm>>) target(%arg8 : memref<128x128xf32, #tpu.memory_space<vmem>>) target_semaphore(%run_scoped3A : memref<!tpu.dma_semaphore, #tpu.memory_space<semaphore_mem>>)
      %dma_wait3A_58 = tpu.memref_slice %arg3[%multiple_of3A, %multiple_of3A_7] : memref<2048x1024xf32, #tpu.memory_space<hbm>> -> memref<128x128xf32, #tpu.memory_space<hbm>>
      %dma_wait3A_59 = tpu.memref_slice %arg3[%multiple_of3A, %multiple_of3A_7] : memref<2048x1024xf32, #tpu.memory_space<hbm>> -> memref<128x128xf32, #tpu.memory_space<hbm>>
      tpu.wait_dma2 semaphore(%run_scoped3A : memref<!tpu.dma_semaphore, #tpu.memory_space<semaphore_mem>>) src(%dma_wait3A_59 : memref<128x128xf32, #tpu.memory_space<hbm>>) dst(%arg8 : memref<128x128xf32, #tpu.memory_space<vmem>>)
      tpu.yield
    }) : () -> ()
    %dma_wait3A = arith.constant 0 : i32
    %dma_wait3A_10 = tpu.memref_slice %arg6[%multiple_of3A_3, %dma_wait3A] : memref<8192x128xf32, #tpu.memory_space<vmem_shared>> -> memref<512x128xf32, #tpu.memory_space<vmem_shared>>
    %dma_wait3A_11 = tpu.memref_slice %arg2[%multiple_of3A_3, %multiple_of3A_7] : memref<8192x1024xf32, #tpu.memory_space<hbm>> -> memref<512x128xf32, #tpu.memory_space<hbm>>
    tpu.wait_dma2 semaphore(%arg10 : memref<!tpu.dma_semaphore, #tpu.memory_space<semaphore_mem>>) src(%dma_wait3A_11 : memref<512x128xf32, #tpu.memory_space<hbm>>) dst(%dma_wait3A_10 : memref<512x128xf32, #tpu.memory_space<vmem_shared>>)
    %barrier3A = arith.constant 0 : index
    tpu.barrier barrier_id(%barrier3A)
    "tpu.region"() ({
      %run_scoped3A = tpu.sem_alloc : memref<!tpu.dma_semaphore, #tpu.memory_space<semaphore_mem>>
      %dma_start3A_56 = arith.constant 0 : i32
      %dma_start3A_57 = arith.constant 0 : i32
      %dma_start3A_58 = tpu.memref_slice %arg6[%dma_start3A_56, %dma_start3A_57] : memref<8192x128xf32, #tpu.memory_space<vmem_shared>> -> memref<8192x128xf32, #tpu.memory_space<vmem_shared>>
      tpu.enqueue_indirect_dma source(%arg8 : memref<128x128xf32, #tpu.memory_space<vmem>>) target(%dma_start3A_58 : memref<8192x128xf32, #tpu.memory_space<vmem_shared>>) offsets(%arg9 : memref<128xi32, #tpu.memory_space<vmem>>) semaphore(%run_scoped3A : memref<!tpu.dma_semaphore, #tpu.memory_space<semaphore_mem>>) {add = true}
      %dma_wait3A_59 = arith.constant 0 : i32
      %dma_wait3A_60 = arith.constant 0 : i32
      %dma_wait3A_61 = tpu.memref_slice %arg6[%dma_wait3A_59, %dma_wait3A_60] : memref<8192x128xf32, #tpu.memory_space<vmem_shared>> -> memref<8192x128xf32, #tpu.memory_space<vmem_shared>>
      tpu.wait_indirect_dma semaphore(%run_scoped3A : memref<!tpu.dma_semaphore, #tpu.memory_space<semaphore_mem>>) src(%arg8 : memref<128x128xf32, #tpu.memory_space<vmem>>) dst(%dma_wait3A_61 : memref<8192x128xf32, #tpu.memory_space<vmem_shared>>)
      tpu.yield
    }) : () -> ()
    %barrier3A_12 = arith.constant 0 : index
    tpu.barrier barrier_id(%barrier3A_12)
    "tpu.region"() ({
      %run_scoped3A = tpu.sem_alloc : memref<!tpu.dma_semaphore, #tpu.memory_space<semaphore_mem>>
      %dma_start3A_56 = arith.constant 0 : i32
      %dma_start3A_57 = arith.constant 0 : i32
      %dma_start3A_58 = tpu.memref_slice %arg6[%dma_start3A_56, %dma_start3A_57] : memref<8192x128xf32, #tpu.memory_space<vmem_shared>> -> memref<8192x128xf32, #tpu.memory_space<vmem_shared>>
      tpu.enqueue_indirect_dma source(%dma_start3A_58 : memref<8192x128xf32, #tpu.memory_space<vmem_shared>>) target(%arg7 : memref<128x128xf32, #tpu.memory_space<vmem>>) offsets(%arg9 : memref<128xi32, #tpu.memory_space<vmem>>) semaphore(%run_scoped3A : memref<!tpu.dma_semaphore, #tpu.memory_space<semaphore_mem>>)
      %dma_wait3A_59 = arith.constant 0 : i32
      %dma_wait3A_60 = arith.constant 0 : i32
      %dma_wait3A_61 = tpu.memref_slice %arg6[%dma_wait3A_59, %dma_wait3A_60] : memref<8192x128xf32, #tpu.memory_space<vmem_shared>> -> memref<8192x128xf32, #tpu.memory_space<vmem_shared>>
      tpu.wait_indirect_dma semaphore(%run_scoped3A : memref<!tpu.dma_semaphore, #tpu.memory_space<semaphore_mem>>) src(%dma_wait3A_61 : memref<8192x128xf32, #tpu.memory_space<vmem_shared>>) dst(%arg7 : memref<128x128xf32, #tpu.memory_space<vmem>>)
      tpu.yield
    }) : () -> ()
    "tpu.region"() ({
      %run_scoped3A = tpu.sem_alloc : memref<!tpu.dma_semaphore, #tpu.memory_space<semaphore_mem>>
      %dma_start3A_56 = tpu.memref_slice %arg5[%multiple_of3A, %multiple_of3A_7] : memref<2048x1024xf32, #tpu.memory_space<hbm>> -> memref<128x128xf32, #tpu.memory_space<hbm>>
      %dma_start3A_57 = tpu.memref_slice %arg5[%multiple_of3A, %multiple_of3A_7] : memref<2048x1024xf32, #tpu.memory_space<hbm>> -> memref<128x128xf32, #tpu.memory_space<hbm>>
      tpu.enqueue_dma source(%arg7 : memref<128x128xf32, #tpu.memory_space<vmem>>) target(%dma_start3A_57 : memref<128x128xf32, #tpu.memory_space<hbm>>) target_semaphore(%run_scoped3A : memref<!tpu.dma_semaphore, #tpu.memory_space<semaphore_mem>>)
      %dma_wait3A_58 = tpu.memref_slice %arg5[%multiple_of3A, %multiple_of3A_7] : memref<2048x1024xf32, #tpu.memory_space<hbm>> -> memref<128x128xf32, #tpu.memory_space<hbm>>
      %dma_wait3A_59 = tpu.memref_slice %arg5[%multiple_of3A, %multiple_of3A_7] : memref<2048x1024xf32, #tpu.memory_space<hbm>> -> memref<128x128xf32, #tpu.memory_space<hbm>>
      tpu.wait_dma2 semaphore(%run_scoped3A : memref<!tpu.dma_semaphore, #tpu.memory_space<semaphore_mem>>) src(%arg7 : memref<128x128xf32, #tpu.memory_space<vmem>>) dst(%dma_wait3A_59 : memref<128x128xf32, #tpu.memory_space<hbm>>)
      tpu.yield
    }) : () -> ()
    %barrier3A_13 = arith.constant 0 : index
    tpu.barrier barrier_id(%barrier3A_13)
    %mul3A_14 = arith.constant 512 : i32
    %mul3A_15 = arith.muli %arg0, %mul3A_14 : i32
    %add3A_16 = arith.constant 128 : i32
    %add3A_17 = arith.addi %mul3A_15, %add3A_16 : i32
    %multiple_of3A_18 = tpu.assume_multiple %add3A_17, 128 : i32
    %dma_start3A_19 = arith.constant 0 : i32
    %dma_start3A_20 = tpu.memref_slice %arg6[%multiple_of3A_3, %dma_start3A_19] : memref<8192x128xf32, #tpu.memory_space<vmem_shared>> -> memref<512x128xf32, #tpu.memory_space<vmem_shared>>
    %dma_start3A_21 = tpu.memref_slice %arg2[%multiple_of3A_3, %multiple_of3A_18] : memref<8192x1024xf32, #tpu.memory_space<hbm>> -> memref<512x128xf32, #tpu.memory_space<hbm>>
    tpu.enqueue_dma source(%dma_start3A_21 : memref<512x128xf32, #tpu.memory_space<hbm>>) target(%dma_start3A_20 : memref<512x128xf32, #tpu.memory_space<vmem_shared>>) target_semaphore(%arg10 : memref<!tpu.dma_semaphore, #tpu.memory_space<semaphore_mem>>)
    "tpu.region"() ({
      %run_scoped3A = tpu.sem_alloc : memref<!tpu.dma_semaphore, #tpu.memory_space<semaphore_mem>>
      %dma_start3A_56 = tpu.memref_slice %arg3[%multiple_of3A, %multiple_of3A_18] : memref<2048x1024xf32, #tpu.memory_space<hbm>> -> memref<128x128xf32, #tpu.memory_space<hbm>>
      %dma_start3A_57 = tpu.memref_slice %arg3[%multiple_of3A, %multiple_of3A_18] : memref<2048x1024xf32, #tpu.memory_space<hbm>> -> memref<128x128xf32, #tpu.memory_space<hbm>>
      tpu.enqueue_dma source(%dma_start3A_57 : memref<128x128xf32, #tpu.memory_space<hbm>>) target(%arg8 : memref<128x128xf32, #tpu.memory_space<vmem>>) target_semaphore(%run_scoped3A : memref<!tpu.dma_semaphore, #tpu.memory_space<semaphore_mem>>)
      %dma_wait3A_58 = tpu.memref_slice %arg3[%multiple_of3A, %multiple_of3A_18] : memref<2048x1024xf32, #tpu.memory_space<hbm>> -> memref<128x128xf32, #tpu.memory_space<hbm>>
      %dma_wait3A_59 = tpu.memref_slice %arg3[%multiple_of3A, %multiple_of3A_18] : memref<2048x1024xf32, #tpu.memory_space<hbm>> -> memref<128x128xf32, #tpu.memory_space<hbm>>
      tpu.wait_dma2 semaphore(%run_scoped3A : memref<!tpu.dma_semaphore, #tpu.memory_space<semaphore_mem>>) src(%dma_wait3A_59 : memref<128x128xf32, #tpu.memory_space<hbm>>) dst(%arg8 : memref<128x128xf32, #tpu.memory_space<vmem>>)
      tpu.yield
    }) : () -> ()
    %dma_wait3A_22 = arith.constant 0 : i32
    %dma_wait3A_23 = tpu.memref_slice %arg6[%multiple_of3A_3, %dma_wait3A_22] : memref<8192x128xf32, #tpu.memory_space<vmem_shared>> -> memref<512x128xf32, #tpu.memory_space<vmem_shared>>
    %dma_wait3A_24 = tpu.memref_slice %arg2[%multiple_of3A_3, %multiple_of3A_18] : memref<8192x1024xf32, #tpu.memory_space<hbm>> -> memref<512x128xf32, #tpu.memory_space<hbm>>
    tpu.wait_dma2 semaphore(%arg10 : memref<!tpu.dma_semaphore, #tpu.memory_space<semaphore_mem>>) src(%dma_wait3A_24 : memref<512x128xf32, #tpu.memory_space<hbm>>) dst(%dma_wait3A_23 : memref<512x128xf32, #tpu.memory_space<vmem_shared>>)
    %barrier3A_25 = arith.constant 0 : index
    tpu.barrier barrier_id(%barrier3A_25)
    "tpu.region"() ({
      %run_scoped3A = tpu.sem_alloc : memref<!tpu.dma_semaphore, #tpu.memory_space<semaphore_mem>>
      %dma_start3A_56 = arith.constant 0 : i32
      %dma_start3A_57 = arith.constant 0 : i32
      %dma_start3A_58 = tpu.memref_slice %arg6[%dma_start3A_56, %dma_start3A_57] : memref<8192x128xf32, #tpu.memory_space<vmem_shared>> -> memref<8192x128xf32, #tpu.memory_space<vmem_shared>>
      tpu.enqueue_indirect_dma source(%arg8 : memref<128x128xf32, #tpu.memory_space<vmem>>) target(%dma_start3A_58 : memref<8192x128xf32, #tpu.memory_space<vmem_shared>>) offsets(%arg9 : memref<128xi32, #tpu.memory_space<vmem>>) semaphore(%run_scoped3A : memref<!tpu.dma_semaphore, #tpu.memory_space<semaphore_mem>>) {add = true}
      %dma_wait3A_59 = arith.constant 0 : i32
      %dma_wait3A_60 = arith.constant 0 : i32
      %dma_wait3A_61 = tpu.memref_slice %arg6[%dma_wait3A_59, %dma_wait3A_60] : memref<8192x128xf32, #tpu.memory_space<vmem_shared>> -> memref<8192x128xf32, #tpu.memory_space<vmem_shared>>
      tpu.wait_indirect_dma semaphore(%run_scoped3A : memref<!tpu.dma_semaphore, #tpu.memory_space<semaphore_mem>>) src(%arg8 : memref<128x128xf32, #tpu.memory_space<vmem>>) dst(%dma_wait3A_61 : memref<8192x128xf32, #tpu.memory_space<vmem_shared>>)
      tpu.yield
    }) : () -> ()
    %barrier3A_26 = arith.constant 0 : index
    tpu.barrier barrier_id(%barrier3A_26)
    "tpu.region"() ({
      %run_scoped3A = tpu.sem_alloc : memref<!tpu.dma_semaphore, #tpu.memory_space<semaphore_mem>>
      %dma_start3A_56 = arith.constant 0 : i32
      %dma_start3A_57 = arith.constant 0 : i32
      %dma_start3A_58 = tpu.memref_slice %arg6[%dma_start3A_56, %dma_start3A_57] : memref<8192x128xf32, #tpu.memory_space<vmem_shared>> -> memref<8192x128xf32, #tpu.memory_space<vmem_shared>>
      tpu.enqueue_indirect_dma source(%dma_start3A_58 : memref<8192x128xf32, #tpu.memory_space<vmem_shared>>) target(%arg7 : memref<128x128xf32, #tpu.memory_space<vmem>>) offsets(%arg9 : memref<128xi32, #tpu.memory_space<vmem>>) semaphore(%run_scoped3A : memref<!tpu.dma_semaphore, #tpu.memory_space<semaphore_mem>>)
      %dma_wait3A_59 = arith.constant 0 : i32
      %dma_wait3A_60 = arith.constant 0 : i32
      %dma_wait3A_61 = tpu.memref_slice %arg6[%dma_wait3A_59, %dma_wait3A_60] : memref<8192x128xf32, #tpu.memory_space<vmem_shared>> -> memref<8192x128xf32, #tpu.memory_space<vmem_shared>>
      tpu.wait_indirect_dma semaphore(%run_scoped3A : memref<!tpu.dma_semaphore, #tpu.memory_space<semaphore_mem>>) src(%dma_wait3A_61 : memref<8192x128xf32, #tpu.memory_space<vmem_shared>>) dst(%arg7 : memref<128x128xf32, #tpu.memory_space<vmem>>)
      tpu.yield
    }) : () -> ()
    "tpu.region"() ({
      %run_scoped3A = tpu.sem_alloc : memref<!tpu.dma_semaphore, #tpu.memory_space<semaphore_mem>>
      %dma_start3A_56 = tpu.memref_slice %arg5[%multiple_of3A, %multiple_of3A_18] : memref<2048x1024xf32, #tpu.memory_space<hbm>> -> memref<128x128xf32, #tpu.memory_space<hbm>>
      %dma_start3A_57 = tpu.memref_slice %arg5[%multiple_of3A, %multiple_of3A_18] : memref<2048x1024xf32, #tpu.memory_space<hbm>> -> memref<128x128xf32, #tpu.memory_space<hbm>>
      tpu.enqueue_dma source(%arg7 : memref<128x128xf32, #tpu.memory_space<vmem>>) target(%dma_start3A_57 : memref<128x128xf32, #tpu.memory_space<hbm>>) target_semaphore(%run_scoped3A : memref<!tpu.dma_semaphore, #tpu.memory_space<semaphore_mem>>)
      %dma_wait3A_58 = tpu.memref_slice %arg5[%multiple_of3A, %multiple_of3A_18] : memref<2048x1024xf32, #tpu.memory_space<hbm>> -> memref<128x128xf32, #tpu.memory_space<hbm>>
      %dma_wait3A_59 = tpu.memref_slice %arg5[%multiple_of3A, %multiple_of3A_18] : memref<2048x1024xf32, #tpu.memory_space<hbm>> -> memref<128x128xf32, #tpu.memory_space<hbm>>
      tpu.wait_dma2 semaphore(%run_scoped3A : memref<!tpu.dma_semaphore, #tpu.memory_space<semaphore_mem>>) src(%arg7 : memref<128x128xf32, #tpu.memory_space<vmem>>) dst(%dma_wait3A_59 : memref<128x128xf32, #tpu.memory_space<hbm>>)
      tpu.yield
    }) : () -> ()
    %barrier3A_27 = arith.constant 0 : index
    tpu.barrier barrier_id(%barrier3A_27)
    %mul3A_28 = arith.constant 512 : i32
    %mul3A_29 = arith.muli %arg0, %mul3A_28 : i32
    %add3A_30 = arith.constant 256 : i32
    %add3A_31 = arith.addi %mul3A_29, %add3A_30 : i32
    %multiple_of3A_32 = tpu.assume_multiple %add3A_31, 128 : i32
    %dma_start3A_33 = arith.constant 0 : i32
    %dma_start3A_34 = tpu.memref_slice %arg6[%multiple_of3A_3, %dma_start3A_33] : memref<8192x128xf32, #tpu.memory_space<vmem_shared>> -> memref<512x128xf32, #tpu.memory_space<vmem_shared>>
    %dma_start3A_35 = tpu.memref_slice %arg2[%multiple_of3A_3, %multiple_of3A_32] : memref<8192x1024xf32, #tpu.memory_space<hbm>> -> memref<512x128xf32, #tpu.memory_space<hbm>>
    tpu.enqueue_dma source(%dma_start3A_35 : memref<512x128xf32, #tpu.memory_space<hbm>>) target(%dma_start3A_34 : memref<512x128xf32, #tpu.memory_space<vmem_shared>>) target_semaphore(%arg10 : memref<!tpu.dma_semaphore, #tpu.memory_space<semaphore_mem>>)
    "tpu.region"() ({
      %run_scoped3A = tpu.sem_alloc : memref<!tpu.dma_semaphore, #tpu.memory_space<semaphore_mem>>
      %dma_start3A_56 = tpu.memref_slice %arg3[%multiple_of3A, %multiple_of3A_32] : memref<2048x1024xf32, #tpu.memory_space<hbm>> -> memref<128x128xf32, #tpu.memory_space<hbm>>
      %dma_start3A_57 = tpu.memref_slice %arg3[%multiple_of3A, %multiple_of3A_32] : memref<2048x1024xf32, #tpu.memory_space<hbm>> -> memref<128x128xf32, #tpu.memory_space<hbm>>
      tpu.enqueue_dma source(%dma_start3A_57 : memref<128x128xf32, #tpu.memory_space<hbm>>) target(%arg8 : memref<128x128xf32, #tpu.memory_space<vmem>>) target_semaphore(%run_scoped3A : memref<!tpu.dma_semaphore, #tpu.memory_space<semaphore_mem>>)
      %dma_wait3A_58 = tpu.memref_slice %arg3[%multiple_of3A, %multiple_of3A_32] : memref<2048x1024xf32, #tpu.memory_space<hbm>> -> memref<128x128xf32, #tpu.memory_space<hbm>>
      %dma_wait3A_59 = tpu.memref_slice %arg3[%multiple_of3A, %multiple_of3A_32] : memref<2048x1024xf32, #tpu.memory_space<hbm>> -> memref<128x128xf32, #tpu.memory_space<hbm>>
      tpu.wait_dma2 semaphore(%run_scoped3A : memref<!tpu.dma_semaphore, #tpu.memory_space<semaphore_mem>>) src(%dma_wait3A_59 : memref<128x128xf32, #tpu.memory_space<hbm>>) dst(%arg8 : memref<128x128xf32, #tpu.memory_space<vmem>>)
      tpu.yield
    }) : () -> ()
    %dma_wait3A_36 = arith.constant 0 : i32
    %dma_wait3A_37 = tpu.memref_slice %arg6[%multiple_of3A_3, %dma_wait3A_36] : memref<8192x128xf32, #tpu.memory_space<vmem_shared>> -> memref<512x128xf32, #tpu.memory_space<vmem_shared>>
    %dma_wait3A_38 = tpu.memref_slice %arg2[%multiple_of3A_3, %multiple_of3A_32] : memref<8192x1024xf32, #tpu.memory_space<hbm>> -> memref<512x128xf32, #tpu.memory_space<hbm>>
    tpu.wait_dma2 semaphore(%arg10 : memref<!tpu.dma_semaphore, #tpu.memory_space<semaphore_mem>>) src(%dma_wait3A_38 : memref<512x128xf32, #tpu.memory_space<hbm>>) dst(%dma_wait3A_37 : memref<512x128xf32, #tpu.memory_space<vmem_shared>>)
    %barrier3A_39 = arith.constant 0 : index
    tpu.barrier barrier_id(%barrier3A_39)
    "tpu.region"() ({
      %run_scoped3A = tpu.sem_alloc : memref<!tpu.dma_semaphore, #tpu.memory_space<semaphore_mem>>
      %dma_start3A_56 = arith.constant 0 : i32
      %dma_start3A_57 = arith.constant 0 : i32
      %dma_start3A_58 = tpu.memref_slice %arg6[%dma_start3A_56, %dma_start3A_57] : memref<8192x128xf32, #tpu.memory_space<vmem_shared>> -> memref<8192x128xf32, #tpu.memory_space<vmem_shared>>
      tpu.enqueue_indirect_dma source(%arg8 : memref<128x128xf32, #tpu.memory_space<vmem>>) target(%dma_start3A_58 : memref<8192x128xf32, #tpu.memory_space<vmem_shared>>) offsets(%arg9 : memref<128xi32, #tpu.memory_space<vmem>>) semaphore(%run_scoped3A : memref<!tpu.dma_semaphore, #tpu.memory_space<semaphore_mem>>) {add = true}
      %dma_wait3A_59 = arith.constant 0 : i32
      %dma_wait3A_60 = arith.constant 0 : i32
      %dma_wait3A_61 = tpu.memref_slice %arg6[%dma_wait3A_59, %dma_wait3A_60] : memref<8192x128xf32, #tpu.memory_space<vmem_shared>> -> memref<8192x128xf32, #tpu.memory_space<vmem_shared>>
      tpu.wait_indirect_dma semaphore(%run_scoped3A : memref<!tpu.dma_semaphore, #tpu.memory_space<semaphore_mem>>) src(%arg8 : memref<128x128xf32, #tpu.memory_space<vmem>>) dst(%dma_wait3A_61 : memref<8192x128xf32, #tpu.memory_space<vmem_shared>>)
      tpu.yield
    }) : () -> ()
    %barrier3A_40 = arith.constant 0 : index
    tpu.barrier barrier_id(%barrier3A_40)
    "tpu.region"() ({
      %run_scoped3A = tpu.sem_alloc : memref<!tpu.dma_semaphore, #tpu.memory_space<semaphore_mem>>
      %dma_start3A_56 = arith.constant 0 : i32
      %dma_start3A_57 = arith.constant 0 : i32
      %dma_start3A_58 = tpu.memref_slice %arg6[%dma_start3A_56, %dma_start3A_57] : memref<8192x128xf32, #tpu.memory_space<vmem_shared>> -> memref<8192x128xf32, #tpu.memory_space<vmem_shared>>
      tpu.enqueue_indirect_dma source(%dma_start3A_58 : memref<8192x128xf32, #tpu.memory_space<vmem_shared>>) target(%arg7 : memref<128x128xf32, #tpu.memory_space<vmem>>) offsets(%arg9 : memref<128xi32, #tpu.memory_space<vmem>>) semaphore(%run_scoped3A : memref<!tpu.dma_semaphore, #tpu.memory_space<semaphore_mem>>)
      %dma_wait3A_59 = arith.constant 0 : i32
      %dma_wait3A_60 = arith.constant 0 : i32
      %dma_wait3A_61 = tpu.memref_slice %arg6[%dma_wait3A_59, %dma_wait3A_60] : memref<8192x128xf32, #tpu.memory_space<vmem_shared>> -> memref<8192x128xf32, #tpu.memory_space<vmem_shared>>
      tpu.wait_indirect_dma semaphore(%run_scoped3A : memref<!tpu.dma_semaphore, #tpu.memory_space<semaphore_mem>>) src(%dma_wait3A_61 : memref<8192x128xf32, #tpu.memory_space<vmem_shared>>) dst(%arg7 : memref<128x128xf32, #tpu.memory_space<vmem>>)
      tpu.yield
    }) : () -> ()
    "tpu.region"() ({
      %run_scoped3A = tpu.sem_alloc : memref<!tpu.dma_semaphore, #tpu.memory_space<semaphore_mem>>
      %dma_start3A_56 = tpu.memref_slice %arg5[%multiple_of3A, %multiple_of3A_32] : memref<2048x1024xf32, #tpu.memory_space<hbm>> -> memref<128x128xf32, #tpu.memory_space<hbm>>
      %dma_start3A_57 = tpu.memref_slice %arg5[%multiple_of3A, %multiple_of3A_32] : memref<2048x1024xf32, #tpu.memory_space<hbm>> -> memref<128x128xf32, #tpu.memory_space<hbm>>
      tpu.enqueue_dma source(%arg7 : memref<128x128xf32, #tpu.memory_space<vmem>>) target(%dma_start3A_57 : memref<128x128xf32, #tpu.memory_space<hbm>>) target_semaphore(%run_scoped3A : memref<!tpu.dma_semaphore, #tpu.memory_space<semaphore_mem>>)
      %dma_wait3A_58 = tpu.memref_slice %arg5[%multiple_of3A, %multiple_of3A_32] : memref<2048x1024xf32, #tpu.memory_space<hbm>> -> memref<128x128xf32, #tpu.memory_space<hbm>>
      %dma_wait3A_59 = tpu.memref_slice %arg5[%multiple_of3A, %multiple_of3A_32] : memref<2048x1024xf32, #tpu.memory_space<hbm>> -> memref<128x128xf32, #tpu.memory_space<hbm>>
      tpu.wait_dma2 semaphore(%run_scoped3A : memref<!tpu.dma_semaphore, #tpu.memory_space<semaphore_mem>>) src(%arg7 : memref<128x128xf32, #tpu.memory_space<vmem>>) dst(%dma_wait3A_59 : memref<128x128xf32, #tpu.memory_space<hbm>>)
      tpu.yield
    }) : () -> ()
    %barrier3A_41 = arith.constant 0 : index
    tpu.barrier barrier_id(%barrier3A_41)
    %mul3A_42 = arith.constant 512 : i32
    %mul3A_43 = arith.muli %arg0, %mul3A_42 : i32
    %add3A_44 = arith.constant 384 : i32
    %add3A_45 = arith.addi %mul3A_43, %add3A_44 : i32
    %multiple_of3A_46 = tpu.assume_multiple %add3A_45, 128 : i32
    %dma_start3A_47 = arith.constant 0 : i32
    %dma_start3A_48 = tpu.memref_slice %arg6[%multiple_of3A_3, %dma_start3A_47] : memref<8192x128xf32, #tpu.memory_space<vmem_shared>> -> memref<512x128xf32, #tpu.memory_space<vmem_shared>>
    %dma_start3A_49 = tpu.memref_slice %arg2[%multiple_of3A_3, %multiple_of3A_46] : memref<8192x1024xf32, #tpu.memory_space<hbm>> -> memref<512x128xf32, #tpu.memory_space<hbm>>
    tpu.enqueue_dma source(%dma_start3A_49 : memref<512x128xf32, #tpu.memory_space<hbm>>) target(%dma_start3A_48 : memref<512x128xf32, #tpu.memory_space<vmem_shared>>) target_semaphore(%arg10 : memref<!tpu.dma_semaphore, #tpu.memory_space<semaphore_mem>>)
    "tpu.region"() ({
      %run_scoped3A = tpu.sem_alloc : memref<!tpu.dma_semaphore, #tpu.memory_space<semaphore_mem>>
      %dma_start3A_56 = tpu.memref_slice %arg3[%multiple_of3A, %multiple_of3A_46] : memref<2048x1024xf32, #tpu.memory_space<hbm>> -> memref<128x128xf32, #tpu.memory_space<hbm>>
      %dma_start3A_57 = tpu.memref_slice %arg3[%multiple_of3A, %multiple_of3A_46] : memref<2048x1024xf32, #tpu.memory_space<hbm>> -> memref<128x128xf32, #tpu.memory_space<hbm>>
      tpu.enqueue_dma source(%dma_start3A_57 : memref<128x128xf32, #tpu.memory_space<hbm>>) target(%arg8 : memref<128x128xf32, #tpu.memory_space<vmem>>) target_semaphore(%run_scoped3A : memref<!tpu.dma_semaphore, #tpu.memory_space<semaphore_mem>>)
      %dma_wait3A_58 = tpu.memref_slice %arg3[%multiple_of3A, %multiple_of3A_46] : memref<2048x1024xf32, #tpu.memory_space<hbm>> -> memref<128x128xf32, #tpu.memory_space<hbm>>
      %dma_wait3A_59 = tpu.memref_slice %arg3[%multiple_of3A, %multiple_of3A_46] : memref<2048x1024xf32, #tpu.memory_space<hbm>> -> memref<128x128xf32, #tpu.memory_space<hbm>>
      tpu.wait_dma2 semaphore(%run_scoped3A : memref<!tpu.dma_semaphore, #tpu.memory_space<semaphore_mem>>) src(%dma_wait3A_59 : memref<128x128xf32, #tpu.memory_space<hbm>>) dst(%arg8 : memref<128x128xf32, #tpu.memory_space<vmem>>)
      tpu.yield
    }) : () -> ()
    %dma_wait3A_50 = arith.constant 0 : i32
    %dma_wait3A_51 = tpu.memref_slice %arg6[%multiple_of3A_3, %dma_wait3A_50] : memref<8192x128xf32, #tpu.memory_space<vmem_shared>> -> memref<512x128xf32, #tpu.memory_space<vmem_shared>>
    %dma_wait3A_52 = tpu.memref_slice %arg2[%multiple_of3A_3, %multiple_of3A_46] : memref<8192x1024xf32, #tpu.memory_space<hbm>> -> memref<512x128xf32, #tpu.memory_space<hbm>>
    tpu.wait_dma2 semaphore(%arg10 : memref<!tpu.dma_semaphore, #tpu.memory_space<semaphore_mem>>) src(%dma_wait3A_52 : memref<512x128xf32, #tpu.memory_space<hbm>>) dst(%dma_wait3A_51 : memref<512x128xf32, #tpu.memory_space<vmem_shared>>)
    %barrier3A_53 = arith.constant 0 : index
    tpu.barrier barrier_id(%barrier3A_53)
    "tpu.region"() ({
      %run_scoped3A = tpu.sem_alloc : memref<!tpu.dma_semaphore, #tpu.memory_space<semaphore_mem>>
      %dma_start3A_56 = arith.constant 0 : i32
      %dma_start3A_57 = arith.constant 0 : i32
      %dma_start3A_58 = tpu.memref_slice %arg6[%dma_start3A_56, %dma_start3A_57] : memref<8192x128xf32, #tpu.memory_space<vmem_shared>> -> memref<8192x128xf32, #tpu.memory_space<vmem_shared>>
      tpu.enqueue_indirect_dma source(%arg8 : memref<128x128xf32, #tpu.memory_space<vmem>>) target(%dma_start3A_58 : memref<8192x128xf32, #tpu.memory_space<vmem_shared>>) offsets(%arg9 : memref<128xi32, #tpu.memory_space<vmem>>) semaphore(%run_scoped3A : memref<!tpu.dma_semaphore, #tpu.memory_space<semaphore_mem>>) {add = true}
      %dma_wait3A_59 = arith.constant 0 : i32
      %dma_wait3A_60 = arith.constant 0 : i32
      %dma_wait3A_61 = tpu.memref_slice %arg6[%dma_wait3A_59, %dma_wait3A_60] : memref<8192x128xf32, #tpu.memory_space<vmem_shared>> -> memref<8192x128xf32, #tpu.memory_space<vmem_shared>>
      tpu.wait_indirect_dma semaphore(%run_scoped3A : memref<!tpu.dma_semaphore, #tpu.memory_space<semaphore_mem>>) src(%arg8 : memref<128x128xf32, #tpu.memory_space<vmem>>) dst(%dma_wait3A_61 : memref<8192x128xf32, #tpu.memory_space<vmem_shared>>)
      tpu.yield
    }) : () -> ()
    %barrier3A_54 = arith.constant 0 : index
    tpu.barrier barrier_id(%barrier3A_54)
    "tpu.region"() ({
      %run_scoped3A = tpu.sem_alloc : memref<!tpu.dma_semaphore, #tpu.memory_space<semaphore_mem>>
      %dma_start3A_56 = arith.constant 0 : i32
      %dma_start3A_57 = arith.constant 0 : i32
      %dma_start3A_58 = tpu.memref_slice %arg6[%dma_start3A_56, %dma_start3A_57] : memref<8192x128xf32, #tpu.memory_space<vmem_shared>> -> memref<8192x128xf32, #tpu.memory_space<vmem_shared>>
      tpu.enqueue_indirect_dma source(%dma_start3A_58 : memref<8192x128xf32, #tpu.memory_space<vmem_shared>>) target(%arg7 : memref<128x128xf32, #tpu.memory_space<vmem>>) offsets(%arg9 : memref<128xi32, #tpu.memory_space<vmem>>) semaphore(%run_scoped3A : memref<!tpu.dma_semaphore, #tpu.memory_space<semaphore_mem>>)
      %dma_wait3A_59 = arith.constant 0 : i32
      %dma_wait3A_60 = arith.constant 0 : i32
      %dma_wait3A_61 = tpu.memref_slice %arg6[%dma_wait3A_59, %dma_wait3A_60] : memref<8192x128xf32, #tpu.memory_space<vmem_shared>> -> memref<8192x128xf32, #tpu.memory_space<vmem_shared>>
      tpu.wait_indirect_dma semaphore(%run_scoped3A : memref<!tpu.dma_semaphore, #tpu.memory_space<semaphore_mem>>) src(%dma_wait3A_61 : memref<8192x128xf32, #tpu.memory_space<vmem_shared>>) dst(%arg7 : memref<128x128xf32, #tpu.memory_space<vmem>>)
      tpu.yield
    }) : () -> ()
    "tpu.region"() ({
      %run_scoped3A = tpu.sem_alloc : memref<!tpu.dma_semaphore, #tpu.memory_space<semaphore_mem>>
      %dma_start3A_56 = tpu.memref_slice %arg5[%multiple_of3A, %multiple_of3A_46] : memref<2048x1024xf32, #tpu.memory_space<hbm>> -> memref<128x128xf32, #tpu.memory_space<hbm>>
      %dma_start3A_57 = tpu.memref_slice %arg5[%multiple_of3A, %multiple_of3A_46] : memref<2048x1024xf32, #tpu.memory_space<hbm>> -> memref<128x128xf32, #tpu.memory_space<hbm>>
      tpu.enqueue_dma source(%arg7 : memref<128x128xf32, #tpu.memory_space<vmem>>) target(%dma_start3A_57 : memref<128x128xf32, #tpu.memory_space<hbm>>) target_semaphore(%run_scoped3A : memref<!tpu.dma_semaphore, #tpu.memory_space<semaphore_mem>>)
      %dma_wait3A_58 = tpu.memref_slice %arg5[%multiple_of3A, %multiple_of3A_46] : memref<2048x1024xf32, #tpu.memory_space<hbm>> -> memref<128x128xf32, #tpu.memory_space<hbm>>
      %dma_wait3A_59 = tpu.memref_slice %arg5[%multiple_of3A, %multiple_of3A_46] : memref<2048x1024xf32, #tpu.memory_space<hbm>> -> memref<128x128xf32, #tpu.memory_space<hbm>>
      tpu.wait_dma2 semaphore(%run_scoped3A : memref<!tpu.dma_semaphore, #tpu.memory_space<semaphore_mem>>) src(%arg7 : memref<128x128xf32, #tpu.memory_space<vmem>>) dst(%dma_wait3A_59 : memref<128x128xf32, #tpu.memory_space<hbm>>)
      tpu.yield
    }) : () -> ()
    %barrier3A_55 = arith.constant 0 : index
    tpu.barrier barrier_id(%barrier3A_55)
    return
  }
}

#map = affine_map<(d0, d1) -> (0, 0)>
#map1 = affine_map<(d0, d1) -> (0)>
module attributes {stable_mosaic.version = 14 : i64} {
  func.func @new_body(%arg0: i32, %arg1: i32, %arg2: memref<2048x1024xf32, #tpu.memory_space<hbm>>, %arg3: memref<2048xi32, #tpu.memory_space<hbm>>, %arg4: memref<8192x1024xf32, #tpu.memory_space<hbm>>, %arg5: memref<8192x1024xf32, #tpu.memory_space<hbm>>, %arg6: memref<64x1024xf32, #tpu.memory_space<vmem>>, %arg7: memref<64xi32, #tpu.memory_space<vmem>>) attributes {dimension_semantics = [#tpu.dimension_semantics<core_parallel>, #tpu.dimension_semantics<subcore_parallel>], iteration_bounds = array<i64: 2, 16>, scalar_prefetch = 0 : i64, scratch_operands = 2 : i64, tpu.core_type = #tpu.core_type<sc_vector_subcore>, window_params = [{transform_indices = #map}, {transform_indices = #map1}, {transform_indices = #map}, {transform_indices = #map}]} {
    %mul3A = arith.constant 2 : i32
    %mul3A_0 = arith.muli %arg1, %mul3A : i32
    %add3A = arith.addi %mul3A_0, %arg0 : i32
    %mul3A_1 = arith.constant 64 : i32
    %mul3A_2 = arith.muli %add3A, %mul3A_1 : i32
    %multiple_of3A = tpu.assume_multiple %mul3A_2, 64 : i32
    "tpu.region"() ({
      %run_scoped3A = tpu.sem_alloc : memref<!tpu.dma_semaphore, #tpu.memory_space<semaphore_mem>>
      %dma_start3A = tpu.memref_slice %arg3[%multiple_of3A] : memref<2048xi32, #tpu.memory_space<hbm>> -> memref<64xi32, #tpu.memory_space<hbm>>
      %dma_start3A_3 = tpu.memref_slice %arg3[%multiple_of3A] : memref<2048xi32, #tpu.memory_space<hbm>> -> memref<64xi32, #tpu.memory_space<hbm>>
      tpu.enqueue_dma source(%dma_start3A_3 : memref<64xi32, #tpu.memory_space<hbm>>) target(%arg7 : memref<64xi32, #tpu.memory_space<vmem>>) target_semaphore(%run_scoped3A : memref<!tpu.dma_semaphore, #tpu.memory_space<semaphore_mem>>)
      %dma_wait3A = tpu.memref_slice %arg3[%multiple_of3A] : memref<2048xi32, #tpu.memory_space<hbm>> -> memref<64xi32, #tpu.memory_space<hbm>>
      %dma_wait3A_4 = tpu.memref_slice %arg3[%multiple_of3A] : memref<2048xi32, #tpu.memory_space<hbm>> -> memref<64xi32, #tpu.memory_space<hbm>>
      tpu.wait_dma2 semaphore(%run_scoped3A : memref<!tpu.dma_semaphore, #tpu.memory_space<semaphore_mem>>) src(%dma_wait3A_4 : memref<64xi32, #tpu.memory_space<hbm>>) dst(%arg7 : memref<64xi32, #tpu.memory_space<vmem>>)
      tpu.yield
    }) : () -> ()
    "tpu.region"() ({
      %run_scoped3A = tpu.sem_alloc : memref<!tpu.dma_semaphore, #tpu.memory_space<semaphore_mem>>
      %dma_start3A = arith.constant 0 : i32
      %dma_start3A_3 = tpu.memref_slice %arg2[%multiple_of3A, %dma_start3A] : memref<2048x1024xf32, #tpu.memory_space<hbm>> -> memref<64x1024xf32, #tpu.memory_space<hbm>>
      %dma_start3A_4 = arith.constant 0 : i32
      %dma_start3A_5 = tpu.memref_slice %arg2[%multiple_of3A, %dma_start3A_4] : memref<2048x1024xf32, #tpu.memory_space<hbm>> -> memref<64x1024xf32, #tpu.memory_space<hbm>>
      tpu.enqueue_dma source(%dma_start3A_5 : memref<64x1024xf32, #tpu.memory_space<hbm>>) target(%arg6 : memref<64x1024xf32, #tpu.memory_space<vmem>>) target_semaphore(%run_scoped3A : memref<!tpu.dma_semaphore, #tpu.memory_space<semaphore_mem>>)
      %dma_wait3A = arith.constant 0 : i32
      %dma_wait3A_6 = tpu.memref_slice %arg2[%multiple_of3A, %dma_wait3A] : memref<2048x1024xf32, #tpu.memory_space<hbm>> -> memref<64x1024xf32, #tpu.memory_space<hbm>>
      %dma_wait3A_7 = arith.constant 0 : i32
      %dma_wait3A_8 = tpu.memref_slice %arg2[%multiple_of3A, %dma_wait3A_7] : memref<2048x1024xf32, #tpu.memory_space<hbm>> -> memref<64x1024xf32, #tpu.memory_space<hbm>>
      tpu.wait_dma2 semaphore(%run_scoped3A : memref<!tpu.dma_semaphore, #tpu.memory_space<semaphore_mem>>) src(%dma_wait3A_8 : memref<64x1024xf32, #tpu.memory_space<hbm>>) dst(%arg6 : memref<64x1024xf32, #tpu.memory_space<vmem>>)
      tpu.yield
    }) : () -> ()
    "tpu.region"() ({
      %run_scoped3A = tpu.sem_alloc : memref<!tpu.dma_semaphore, #tpu.memory_space<semaphore_mem>>
      %dma_start3A = arith.constant 0 : i32
      %dma_start3A_3 = arith.constant 0 : i32
      %dma_start3A_4 = tpu.memref_slice %arg4[%dma_start3A, %dma_start3A_3] : memref<8192x1024xf32, #tpu.memory_space<hbm>> -> memref<8192x1024xf32, #tpu.memory_space<hbm>>
      tpu.enqueue_indirect_dma source(%arg6 : memref<64x1024xf32, #tpu.memory_space<vmem>>) target(%dma_start3A_4 : memref<8192x1024xf32, #tpu.memory_space<hbm>>) offsets(%arg7 : memref<64xi32, #tpu.memory_space<vmem>>) semaphore(%run_scoped3A : memref<!tpu.dma_semaphore, #tpu.memory_space<semaphore_mem>>)
      %dma_wait3A = arith.constant 0 : i32
      %dma_wait3A_5 = arith.constant 0 : i32
      %dma_wait3A_6 = tpu.memref_slice %arg4[%dma_wait3A, %dma_wait3A_5] : memref<8192x1024xf32, #tpu.memory_space<hbm>> -> memref<8192x1024xf32, #tpu.memory_space<hbm>>
      tpu.wait_indirect_dma semaphore(%run_scoped3A : memref<!tpu.dma_semaphore, #tpu.memory_space<semaphore_mem>>) src(%arg6 : memref<64x1024xf32, #tpu.memory_space<vmem>>) dst(%dma_wait3A_6 : memref<8192x1024xf32, #tpu.memory_space<hbm>>)
      tpu.yield
    }) : () -> ()
    return
  }
}

module attributes {stable_mosaic.version = 14 : i64} {
  func.func @_proj_body(%arg0: i32, %arg1: memref<256x32xf32, #tpu.memory_space<vmem>>, %arg2: memref<256x32x128xf32, #tpu.memory_space<vmem>>, %arg3: memref<256x1xf32, #tpu.memory_space<vmem>>, %arg4: memref<128x1024xf32, #tpu.memory_space<vmem>>, %arg5: memref<1x1024xf32, #tpu.memory_space<vmem>>, %arg6: memref<256x1024xf32, #tpu.memory_space<vmem>>) attributes {dimension_semantics = [#tpu.dimension_semantics<arbitrary>], iteration_bounds = array<i64: 8>, scalar_prefetch = 0 : i64, scratch_operands = 0 : i64, tpu.core_type = #tpu.core_type<tc>, window_params = [{transform_indices = @transform_0, window_bounds = array<i64: 256, 32>}, {transform_indices = @transform_1, window_bounds = array<i64: 256, 32, 128>}, {transform_indices = @transform_2, window_bounds = array<i64: 256, 1>}, {pipeline_mode = #tpu.pipeline_mode<synchronous>, transform_indices = @transform_3, window_bounds = array<i64: 128, 1024>}, {pipeline_mode = #tpu.pipeline_mode<synchronous>, transform_indices = @transform_4, window_bounds = array<i64: 1, 1024>}, {transform_indices = @transform_5, window_bounds = array<i64: 256, 1024>}]} {
    %get3A = arith.constant 0 : index
    %get3A_0 = arith.constant 0 : index
    %get3A_1 = vector.load %arg1[%get3A, %get3A_0] : memref<256x32xf32, #tpu.memory_space<vmem>>, vector<256x32xf32>
    %get3A_2 = arith.constant 0 : index
    %get3A_3 = arith.constant 0 : index
    %get3A_4 = arith.constant 0 : index
    %get3A_5 = vector.load %arg2[%get3A_2, %get3A_3, %get3A_4] : memref<256x32x128xf32, #tpu.memory_space<vmem>>, vector<256x32x128xf32>
    %broadcast_in_dim3A = vector.shape_cast %get3A_1 : vector<256x32xf32> to vector<256x32x1xf32>
    %mul3A = vector.broadcast %broadcast_in_dim3A : vector<256x32x1xf32> to vector<256x32x128xf32>
    %mul3A_6 = arith.mulf %mul3A, %get3A_5 : vector<256x32x128xf32>
    %reduce_sum3A = arith.constant dense<0.000000e+00> : vector<256x128xf32>
    %reduce_sum3A_7 = vector.multi_reduction <add>, %mul3A_6, %reduce_sum3A [1] : vector<256x32x128xf32> to vector<256x128xf32>
    %get3A_8 = arith.constant 0 : index
    %get3A_9 = arith.constant 0 : index
    %get3A_10 = vector.load %arg4[%get3A_8, %get3A_9] : memref<128x1024xf32, #tpu.memory_space<vmem>>, vector<128x1024xf32>
    %dot_general3A = arith.constant dense<0.000000e+00> : vector<256x1024xf32>
    %dot_general3A_11 = tpu.matmul %reduce_sum3A_7, %get3A_10, %dot_general3A {dimension_numbers = #tpu.dot_dimension_numbers<[1], [0], [0], [1], [0, 0, 1, 1], [], []>, transpose_lhs_hint = false} : vector<256x128xf32>, vector<128x1024xf32>, vector<256x1024xf32> -> vector<256x1024xf32>
    %get3A_12 = arith.constant 0 : index
    %get3A_13 = arith.constant 0 : index
    %get3A_14 = vector.load %arg5[%get3A_12, %get3A_13] : memref<1x1024xf32, #tpu.memory_space<vmem>>, vector<1x1024xf32>
    %add3A = vector.broadcast %get3A_14 : vector<1x1024xf32> to vector<256x1024xf32>
    %add3A_15 = arith.addf %dot_general3A_11, %add3A : vector<256x1024xf32>
    %get3A_16 = arith.constant 0 : index
    %get3A_17 = arith.constant 0 : index
    %get3A_18 = vector.load %arg3[%get3A_16, %get3A_17] : memref<256x1xf32, #tpu.memory_space<vmem>>, vector<256x1xf32>
    %mul3A_19 = vector.broadcast %get3A_18 : vector<256x1xf32> to vector<256x1024xf32>
    %mul3A_20 = arith.mulf %add3A_15, %mul3A_19 : vector<256x1024xf32>
    %swap3A = arith.constant 0 : index
    %swap3A_21 = arith.constant 0 : index
    %swap3A_22 = vector.load %arg6[%swap3A, %swap3A_21] : memref<256x1024xf32, #tpu.memory_space<vmem>>, vector<256x1024xf32>
    tpu.vector_store %arg6[%swap3A, %swap3A_21], %mul3A_20 {strides = array<i32>} : memref<256x1024xf32, #tpu.memory_space<vmem>>, vector<256x1024xf32>,
    return
  }
  func.func @transform_0(%arg0: i32) -> (i32, i32) {
    %c0_i32 = arith.constant 0 : i32
    %c0_i32_0 = arith.constant 0 : i32
    return %arg0, %c0_i32 : i32, i32
  }
  func.func @transform_1(%arg0: i32) -> (i32, i32, i32) {
    %c0_i32 = arith.constant 0 : i32
    %c0_i32_0 = arith.constant 0 : i32
    %c0_i32_1 = arith.constant 0 : i32
    return %arg0, %c0_i32, %c0_i32_0 : i32, i32, i32
  }
  func.func @transform_2(%arg0: i32) -> (i32, i32) {
    %c0_i32 = arith.constant 0 : i32
    %c0_i32_0 = arith.constant 0 : i32
    return %arg0, %c0_i32 : i32, i32
  }
  func.func @transform_3(%arg0: i32) -> (i32, i32) {
    %c0_i32 = arith.constant 0 : i32
    %c0_i32_0 = arith.constant 0 : i32
    %c0_i32_1 = arith.constant 0 : i32
    return %c0_i32, %c0_i32_0 : i32, i32
  }
  func.func @transform_4(%arg0: i32) -> (i32, i32) {
    %c0_i32 = arith.constant 0 : i32
    %c0_i32_0 = arith.constant 0 : i32
    %c0_i32_1 = arith.constant 0 : i32
    return %c0_i32, %c0_i32_0 : i32, i32
  }
  func.func @transform_5(%arg0: i32) -> (i32, i32) {
    %c0_i32 = arith.constant 0 : i32
    %c0_i32_0 = arith.constant 0 : i32
    return %arg0, %c0_i32 : i32, i32
  }
}

module attributes {stable_mosaic.version = 14 : i64} {
  func.func @_ln_body(%arg0: i32, %arg1: memref<512x1024xf32, #tpu.memory_space<vmem>>, %arg2: memref<1x1024xf32, #tpu.memory_space<vmem>>, %arg3: memref<1x1024xf32, #tpu.memory_space<vmem>>, %arg4: memref<512x1024xf32, #tpu.memory_space<vmem>>) attributes {dimension_semantics = [#tpu.dimension_semantics<arbitrary>], iteration_bounds = array<i64: 16>, scalar_prefetch = 0 : i64, scratch_operands = 0 : i64, tpu.core_type = #tpu.core_type<tc>, window_params = [{transform_indices = @transform_0, window_bounds = array<i64: 512, 1024>}, {pipeline_mode = #tpu.pipeline_mode<synchronous>, transform_indices = @transform_1, window_bounds = array<i64: 1, 1024>}, {pipeline_mode = #tpu.pipeline_mode<synchronous>, transform_indices = @transform_2, window_bounds = array<i64: 1, 1024>}, {transform_indices = @transform_3, window_bounds = array<i64: 512, 1024>}]} {
    %get3A = arith.constant 0 : index
    %get3A_0 = arith.constant 0 : index
    %get3A_1 = vector.load %arg1[%get3A, %get3A_0] : memref<512x1024xf32, #tpu.memory_space<vmem>>, vector<512x1024xf32>
    %reduce_sum3A = arith.constant dense<0.000000e+00> : vector<512xf32>
    %reduce_sum3A_2 = vector.multi_reduction <add>, %get3A_1, %reduce_sum3A [1] : vector<512x1024xf32> to vector<512xf32>
    %broadcast_in_dim3A = vector.shape_cast %reduce_sum3A_2 : vector<512xf32> to vector<512x1xf32>
    %div3A = arith.constant 1.024000e+03 : f32
    %div3A_3 = vector.broadcast %div3A : f32 to vector<512x1xf32>
    %div3A_4 = arith.divf %broadcast_in_dim3A, %div3A_3 : vector<512x1xf32>
    %sub3A = vector.broadcast %div3A_4 : vector<512x1xf32> to vector<512x1024xf32>
    %sub3A_5 = arith.subf %get3A_1, %sub3A : vector<512x1024xf32>
    %mul3A = arith.mulf %sub3A_5, %sub3A_5 : vector<512x1024xf32>
    %reduce_sum3A_6 = arith.constant dense<0.000000e+00> : vector<512xf32>
    %reduce_sum3A_7 = vector.multi_reduction <add>, %mul3A, %reduce_sum3A_6 [1] : vector<512x1024xf32> to vector<512xf32>
    %broadcast_in_dim3A_8 = vector.shape_cast %reduce_sum3A_7 : vector<512xf32> to vector<512x1xf32>
    %div3A_9 = arith.constant 1.024000e+03 : f32
    %div3A_10 = vector.broadcast %div3A_9 : f32 to vector<512x1xf32>
    %div3A_11 = arith.divf %broadcast_in_dim3A_8, %div3A_10 : vector<512x1xf32>
    %add3A = arith.constant 9.99999997E-7 : f32
    %add3A_12 = vector.broadcast %add3A : f32 to vector<512x1xf32>
    %add3A_13 = arith.addf %div3A_11, %add3A_12 : vector<512x1xf32>
    %rsqrt3A = math.rsqrt %add3A_13 : vector<512x1xf32>
    %mul3A_14 = vector.broadcast %rsqrt3A : vector<512x1xf32> to vector<512x1024xf32>
    %mul3A_15 = arith.mulf %sub3A_5, %mul3A_14 : vector<512x1024xf32>
    %get3A_16 = arith.constant 0 : index
    %get3A_17 = arith.constant 0 : index
    %get3A_18 = vector.load %arg2[%get3A_16, %get3A_17] : memref<1x1024xf32, #tpu.memory_space<vmem>>, vector<1x1024xf32>
    %mul3A_19 = vector.broadcast %get3A_18 : vector<1x1024xf32> to vector<512x1024xf32>
    %mul3A_20 = arith.mulf %mul3A_15, %mul3A_19 : vector<512x1024xf32>
    %get3A_21 = arith.constant 0 : index
    %get3A_22 = arith.constant 0 : index
    %get3A_23 = vector.load %arg3[%get3A_21, %get3A_22] : memref<1x1024xf32, #tpu.memory_space<vmem>>, vector<1x1024xf32>
    %add3A_24 = vector.broadcast %get3A_23 : vector<1x1024xf32> to vector<512x1024xf32>
    %add3A_25 = arith.addf %mul3A_20, %add3A_24 : vector<512x1024xf32>
    %swap3A = arith.constant 0 : index
    %swap3A_26 = arith.constant 0 : index
    %swap3A_27 = vector.load %arg4[%swap3A, %swap3A_26] : memref<512x1024xf32, #tpu.memory_space<vmem>>, vector<512x1024xf32>
    tpu.vector_store %arg4[%swap3A, %swap3A_26], %add3A_25 {strides = array<i32>} : memref<512x1024xf32, #tpu.memory_space<vmem>>, vector<512x1024xf32>,
    return
  }
  func.func @transform_0(%arg0: i32) -> (i32, i32) {
    %c0_i32 = arith.constant 0 : i32
    %c0_i32_0 = arith.constant 0 : i32
    return %arg0, %c0_i32 : i32, i32
  }
  func.func @transform_1(%arg0: i32) -> (i32, i32) {
    %c0_i32 = arith.constant 0 : i32
    %c0_i32_0 = arith.constant 0 : i32
    %c0_i32_1 = arith.constant 0 : i32
    return %c0_i32, %c0_i32_0 : i32, i32
  }
  func.func @transform_2(%arg0: i32) -> (i32, i32) {
    %c0_i32 = arith.constant 0 : i32
    %c0_i32_0 = arith.constant 0 : i32
    %c0_i32_1 = arith.constant 0 : i32
    return %c0_i32, %c0_i32_0 : i32, i32
  }
  func.func @transform_3(%arg0: i32) -> (i32, i32) {
    %c0_i32 = arith.constant 0 : i32
    %c0_i32_0 = arith.constant 0 : i32
    return %arg0, %c0_i32 : i32, i32
  }
}

module attributes {stable_mosaic.version = 14 : i64} {
  func.func @_ln_body(%arg0: i32, %arg1: memref<512x1024xf32, #tpu.memory_space<vmem>>, %arg2: memref<1x1024xf32, #tpu.memory_space<vmem>>, %arg3: memref<1x1024xf32, #tpu.memory_space<vmem>>, %arg4: memref<512x1024xf32, #tpu.memory_space<vmem>>) attributes {dimension_semantics = [#tpu.dimension_semantics<arbitrary>], iteration_bounds = array<i64: 4>, scalar_prefetch = 0 : i64, scratch_operands = 0 : i64, tpu.core_type = #tpu.core_type<tc>, window_params = [{transform_indices = @transform_0, window_bounds = array<i64: 512, 1024>}, {pipeline_mode = #tpu.pipeline_mode<synchronous>, transform_indices = @transform_1, window_bounds = array<i64: 1, 1024>}, {pipeline_mode = #tpu.pipeline_mode<synchronous>, transform_indices = @transform_2, window_bounds = array<i64: 1, 1024>}, {transform_indices = @transform_3, window_bounds = array<i64: 512, 1024>}]} {
    %get3A = arith.constant 0 : index
    %get3A_0 = arith.constant 0 : index
    %get3A_1 = vector.load %arg1[%get3A, %get3A_0] : memref<512x1024xf32, #tpu.memory_space<vmem>>, vector<512x1024xf32>
    %reduce_sum3A = arith.constant dense<0.000000e+00> : vector<512xf32>
    %reduce_sum3A_2 = vector.multi_reduction <add>, %get3A_1, %reduce_sum3A [1] : vector<512x1024xf32> to vector<512xf32>
    %broadcast_in_dim3A = vector.shape_cast %reduce_sum3A_2 : vector<512xf32> to vector<512x1xf32>
    %div3A = arith.constant 1.024000e+03 : f32
    %div3A_3 = vector.broadcast %div3A : f32 to vector<512x1xf32>
    %div3A_4 = arith.divf %broadcast_in_dim3A, %div3A_3 : vector<512x1xf32>
    %sub3A = vector.broadcast %div3A_4 : vector<512x1xf32> to vector<512x1024xf32>
    %sub3A_5 = arith.subf %get3A_1, %sub3A : vector<512x1024xf32>
    %mul3A = arith.mulf %sub3A_5, %sub3A_5 : vector<512x1024xf32>
    %reduce_sum3A_6 = arith.constant dense<0.000000e+00> : vector<512xf32>
    %reduce_sum3A_7 = vector.multi_reduction <add>, %mul3A, %reduce_sum3A_6 [1] : vector<512x1024xf32> to vector<512xf32>
    %broadcast_in_dim3A_8 = vector.shape_cast %reduce_sum3A_7 : vector<512xf32> to vector<512x1xf32>
    %div3A_9 = arith.constant 1.024000e+03 : f32
    %div3A_10 = vector.broadcast %div3A_9 : f32 to vector<512x1xf32>
    %div3A_11 = arith.divf %broadcast_in_dim3A_8, %div3A_10 : vector<512x1xf32>
    %add3A = arith.constant 9.99999997E-7 : f32
    %add3A_12 = vector.broadcast %add3A : f32 to vector<512x1xf32>
    %add3A_13 = arith.addf %div3A_11, %add3A_12 : vector<512x1xf32>
    %rsqrt3A = math.rsqrt %add3A_13 : vector<512x1xf32>
    %mul3A_14 = vector.broadcast %rsqrt3A : vector<512x1xf32> to vector<512x1024xf32>
    %mul3A_15 = arith.mulf %sub3A_5, %mul3A_14 : vector<512x1024xf32>
    %get3A_16 = arith.constant 0 : index
    %get3A_17 = arith.constant 0 : index
    %get3A_18 = vector.load %arg2[%get3A_16, %get3A_17] : memref<1x1024xf32, #tpu.memory_space<vmem>>, vector<1x1024xf32>
    %mul3A_19 = vector.broadcast %get3A_18 : vector<1x1024xf32> to vector<512x1024xf32>
    %mul3A_20 = arith.mulf %mul3A_15, %mul3A_19 : vector<512x1024xf32>
    %get3A_21 = arith.constant 0 : index
    %get3A_22 = arith.constant 0 : index
    %get3A_23 = vector.load %arg3[%get3A_21, %get3A_22] : memref<1x1024xf32, #tpu.memory_space<vmem>>, vector<1x1024xf32>
    %add3A_24 = vector.broadcast %get3A_23 : vector<1x1024xf32> to vector<512x1024xf32>
    %add3A_25 = arith.addf %mul3A_20, %add3A_24 : vector<512x1024xf32>
    %swap3A = arith.constant 0 : index
    %swap3A_26 = arith.constant 0 : index
    %swap3A_27 = vector.load %arg4[%swap3A, %swap3A_26] : memref<512x1024xf32, #tpu.memory_space<vmem>>, vector<512x1024xf32>
    tpu.vector_store %arg4[%swap3A, %swap3A_26], %add3A_25 {strides = array<i32>} : memref<512x1024xf32, #tpu.memory_space<vmem>>, vector<512x1024xf32>,
    return
  }
  func.func @transform_0(%arg0: i32) -> (i32, i32) {
    %c0_i32 = arith.constant 0 : i32
    %c0_i32_0 = arith.constant 0 : i32
    return %arg0, %c0_i32 : i32, i32
  }
  func.func @transform_1(%arg0: i32) -> (i32, i32) {
    %c0_i32 = arith.constant 0 : i32
    %c0_i32_0 = arith.constant 0 : i32
    %c0_i32_1 = arith.constant 0 : i32
    return %c0_i32, %c0_i32_0 : i32, i32
  }
  func.func @transform_2(%arg0: i32) -> (i32, i32) {
    %c0_i32 = arith.constant 0 : i32
    %c0_i32_0 = arith.constant 0 : i32
    %c0_i32_1 = arith.constant 0 : i32
    return %c0_i32, %c0_i32_0 : i32, i32
  }
  func.func @transform_3(%arg0: i32) -> (i32, i32) {
    %c0_i32 = arith.constant 0 : i32
    %c0_i32_0 = arith.constant 0 : i32
    return %arg0, %c0_i32 : i32, i32
  }
}

</mosaic_0001>

<sc_bundles>
// kernel: kernel.10.cloned.1.call-start
scs
__scs_entry_jumppad:
0x0: {  	(pc) =	sbr.rel $0x88, $3  }
0x1: {  	(tag) =	ssettag $0x0;
	lr =	simm.s32 $0x1  }
0x2: {  	[smem:$0x3F97] =	sst lr;
	_ =	strace $0xD0000000  }
0x3: {  	_ = 	snop  }
0x4: {  	_ = 	snop  }
0x5: {  	_ = 	snop  }
0x6: {  	_ = 	snop  }
0x7: {  	_ = 	snop  }
__scs_overlays_trampoline_lowered:
0x8: {  	[smem:$0x3FA6] =	sst s0  }
0x9: {  	[smem:$0x3FA7] =	sst s1  }
0xa: {  	[smem:$0x3FA8] =	sst s2  }
0xb: {  	[smem:$0x3FA9] =	sst s3  }
0xc: {  	[smem:$0x3FAA] =	sst s4  }
0xd: {  	[smem:$0x3FAB] =	sst s5  }
0xe: {  	[smem:$0x3FAC] =	sst s6  }
0xf: {  	[smem:$0x3FAD] =	sst s7  }
0x10: {  	[smem:$0x3FAE] =	sst s8  }
0x11: {  	[smem:$0x3FAF] =	sst s9;
	s0 =	simm.s32 @!p0 $0x0  }
0x12: {  	s1 =	sld [smem:$0x3F95];
	s0 =	simm.s32 @p0 $0x1  }
0x13: {  	[smem:$0x3FB0] =	sst s0;
	s0 =	simm.s32 @!p1 $0x0  }
0x14: {  	s2 =	sld [smem:$0x3F94];
	s0 =	simm.s32 @p1 $0x1  }
0x15: {  	[smem:$0x3FB1] =	sst s0;
	s0 =	simm.s32 @!p2 $0x0  }
0x16: {  	s3 =	sld [smem:$0x3FDB];
	s0 =	simm.s32 @p2 $0x1  }
0x17: {  	s4 =	simm.s32 $0x1BF5;
	[smem:$0x3FB3] =	sst s0  }
0x18: {  	s0 =	sld [smem:$0x3F96];
	_ =	swait.ge [sflag:s4], $0x0  }
0x19: {  	s7 =	sld [smem:$0x3F97]  }
0x1a: {  	s8 =	sadd.s32 $0xFFFFE003, lr  }
0x1b: {  	s9 =	sadd.s32 $0xFFFFFEF7, lr;
	s5 =	simm.s32 $0xFFFFFFFF;
	p2 =	slt.u32 s8, $0xFFFFF086  }
0x1c: {  	p1 =	slt.u32 s9, $0xF7A;
	s5 =	simm.s32 @!p2 $0x0  }
0x1d: {  	s5 =	simm.s32 @p1 $0x1;
	p0 =	seq.s32 s7, s2  }
0x1e: {  	s7 =	smul.u32 @!p0 $0xF7A, s2;
	p2 =	seq.s32 @!p0 s5, $0x0  }
0x1f: {  	s9 =	smul.u32 $0xF7A, s1;
	s8 =	simm.s32 @!p0 $0x1BF5;
	p2 =	por !p2, p0  }
0x20: {  	[sflag:s8] =	ssyncset.s32 @!p0 $0xFFFFF086;
	s6 =	sadd.s32 @!p0 s3, s7;
	s7 =	simm.s32 @!p0 $0x108  }
0x21: {  	s3 =	sadd.s32 s3, s9;
	s6 =	sadd.s32 @!p0 $0x88, s6;
	s7 =	simm.s32 @p2 $0x1082  }
0x22: {  	[simem:s7], [sflag:s8] =	dma.local @!p0 [hbm:s6], $0xF7A  }
0x23: {  	s9 =	sor.u32 $0xD0000000, s2;
	s6 =	simm.s32 $0x108;
	_ =	swait.ge @!p0 [sflag:s8], $0x0  }
0x24: {  	s3 =	sadd.s32 $0x88, s3;
	s6 =	simm.s32 @!p1 $0x1082;
	[sflag:s4] =	ssyncset.s32 $0xFFFFF086  }
0x25: {  	[simem:s6], [sflag:s4] =	dma.local [hbm:s3], $0xF7A  }
0x26: {  	[smem:$0x3F97] =	sst s1;
	(tag) =	ssettag s2;
	_ =	strace s9  }
0x27: {  	s1 =	sld [smem:$0x3FA7]  }
0x28: {  	s2 =	sld [smem:$0x3FA8]  }
0x29: {  	s4 =	sld [smem:$0x3FAA]  }
0x2a: {  	p0 =	seq.s32 s5, $0x0;
	s5 =	sld [smem:$0x3FAB]  }
0x2b: {  	s6 =	sld [smem:$0x3FAC]  }
0x2c: {  	s7 =	sld [smem:$0x3FAD]  }
0x2d: {  	s3 =	simm.s32 $0x108;
	s8 =	sld [smem:$0x3FAE]  }
0x2e: {  	s3 =	simm.s32 @!p0 $0x1082;
	s9 =	sld [smem:$0x3FAF]  }
0x2f: {  	lr =	sadd.s32 s0, s3;
	s0 =	sld [smem:$0x3FA6]  }
0x30: {  	s3 =	sld [smem:$0x3FA9]  }
0x31: {  	[smem:$0x3FB2] =	sst s10  }
0x32: {  	s10 =	sld [smem:$0x3FB0];
	_ =	sdelay $0x3  }
0x33: {  	p0 =	seq.s32 s10, $0x1;
	s10 =	sld [smem:$0x3FB2];
	_ =	sdelay $0x3  }
0x34: {  	[smem:$0x3FB2] =	sst s10  }
0x35: {  	s10 =	sld [smem:$0x3FB1];
	_ =	sdelay $0x3  }
0x36: {  	p1 =	seq.s32 s10, $0x1;
	s10 =	sld [smem:$0x3FB2];
	_ =	sdelay $0x3  }
0x37: {  	[smem:$0x3FB2] =	sst s10  }
0x38: {  	s10 =	sld [smem:$0x3FB3]  }
0x39: {  	_ = 	snop;
	(pc) =	sbr.ind lr, $3  }
0x3a: {  	_ = 	snop  }
0x3b: {  	_ = 	snop  }
0x3c: {  	p2 =	seq.s32 s10, $0x1;
	s10 =	sld [smem:$0x3FB2]  }
0x3d: {  	_ =	shalt  }
0x3e: {  	_ =	shalt  }
0x3f: {  	_ =	shalt  }
0x40: {  	_ =	shalt  }
0x41: {  	_ =	shalt  }
0x42: {  	_ =	shalt  }
0x43: {  	_ =	shalt  }
0x44: {  	_ =	shalt  }
0x45: {  	_ =	shalt  }
0x46: {  	_ =	shalt  }
0x47: {  	_ =	shalt  }
0x48: {  	_ =	shalt  }
0x49: {  	_ =	shalt  }
0x4a: {  	_ =	shalt  }
0x4b: {  	_ =	shalt  }
0x4c: {  	_ =	shalt  }
0x4d: {  	_ =	shalt  }
0x4e: {  	_ =	shalt  }
0x4f: {  	_ =	shalt  }
0x50: {  	_ =	shalt  }
0x51: {  	_ =	shalt  }
0x52: {  	_ =	shalt  }
0x53: {  	_ =	shalt  }
0x54: {  	_ =	shalt  }
0x55: {  	_ =	shalt  }
0x56: {  	_ =	shalt  }
0x57: {  	_ =	shalt  }
0x58: {  	_ =	shalt  }
0x59: {  	_ =	shalt  }
0x5a: {  	_ =	shalt  }
0x5b: {  	_ =	shalt  }
0x5c: {  	_ =	shalt  }
0x5d: {  	_ =	shalt  }
0x5e: {  	_ =	shalt  }
0x5f: {  	_ =	shalt  }
0x60: {  	_ =	shalt  }
0x61: {  	_ =	shalt  }
0x62: {  	_ =	shalt  }
0x63: {  	_ =	shalt  }
0x64: {  	_ =	shalt  }
0x65: {  	_ =	shalt  }
0x66: {  	_ =	shalt  }
0x67: {  	_ =	shalt  }
0x68: {  	_ =	shalt  }
0x69: {  	_ =	shalt  }
0x6a: {  	_ =	shalt  }
0x6b: {  	_ =	shalt  }
0x6c: {  	_ =	shalt  }
0x6d: {  	_ =	shalt  }
0x6e: {  	_ =	shalt  }
0x6f: {  	_ =	shalt  }
0x70: {  	_ =	shalt  }
0x71: {  	_ =	shalt  }
0x72: {  	_ =	shalt  }
0x73: {  	_ =	shalt  }
0x74: {  	_ =	shalt  }
0x75: {  	_ =	shalt  }
0x76: {  	_ =	shalt  }
0x77: {  	_ =	shalt  }
0x78: {  	_ =	shalt  }
0x79: {  	_ =	shalt  }
0x7a: {  	_ =	shalt  }
0x7b: {  	_ =	shalt  }
0x7c: {  	_ =	shalt  }
0x7d: {  	_ =	shalt  }
0x7e: {  	_ =	shalt  }
0x7f: {  	_ =	shalt  }
0x80: {  	_ =	shalt  }
0x81: {  	_ =	shalt  }
0x82: {  	_ =	shalt  }
0x83: {  	_ =	shalt  }
0x84: {  	_ =	shalt  }
0x85: {  	_ =	shalt  }
0x86: {  	_ =	shalt  }
0x87: {  	_ =	shalt  }
.Lfunc_end0:
.L_simem_size_0:
called_computation.1_lowered:
.L_overlay_start_0:
0x88: {  	s2 =	sld [smem:$0x3FD9]  }
0x89: {  	s3 =	sld [smem:$0x3FFE];
	_ =	sdelay $0x1  }
0x8a: {  	s1 =	srdreg.scid  }
0x8b: {  	s0 =	sand.u32 $0x1, s1  }
0x8c: {  	s17 =	sshll.u32 s0, $0xA;
	s2 =	sadd.s32 s3, s2  }
0x8d: {  	s2 =	sadd.s32 s2, s17  }
0x8e: {  	[smem:$0x3FBE] =	sst s2  }
0x8f: {  	_ = 	snop  }
0x90: {  	s2 =	sld [smem:$0x3FD0];
	(tm) =	ssettm $0x1  }
0x91: {  	s18 =	sld [smem:$0x3FFB];
	_ =	sdelay $0x3  }
0x92: {  	_ =	strace s18  }
0x93: {  	s3 =	sld [smem:$0x3FFC];
	_ =	sdelay $0x3  }
0x94: {  	_ =	strace s3  }
0x95: {  	s3 =	sld [smem:$0x3FFD];
	_ =	sdelay $0x3  }
0x96: {  	_ =	strace s3  }
0x97: {  	_ =	strace $0x8FFFFFFF  }
0x98: {  	s19 =	sld [smem:$0x3FDB];
	_ =	sdelay $0x1  }
0x99: {  	s4 =	simm.s32 $_scs_section_size  }
0x9a: {  	s5 =	simm.s32 $_size__tile_overlayer_lowered;
	s6 =	simm.s32 $_tile_overlayer_lowered  }
0x9b: {  	s22 =	simm.s32 $0x1BFF;
	s21 =	sshll.u32 s6, $0x1;
	s3 =	sadd.s32 s4, s19  }
0x9c: {  	s7 =	simm.s32 $0x0;
	s20 =	sshll.u32 s5, $0x1;
	s5 =	sadd.s32 s21, s3  }
0x9d: {  	[timem:s7], [sflag:s22] =	dma.local [hbm:s5], s20  }
0x9e: {  	_ =	swait.ge [sflag:s22], s20  }
0x9f: {  	s4 =	ssub.s32 $0x0, s20;
	[sflag:s22] =	ssyncset.done $0x0  }
0xa0: {  	[sflag:s22] =	ssyncadd.s32 s4;
	_ =	sdelay $0x1  }
0xa1: {  	s23 =	simm.s32 $0x1B8B  }
0xa2: {  	_ =	swait.ge [sflag:s23], $0x1  }
0xa3: {  	[sflag:s23] =	ssyncset.done $0x0  }
0xa4: {  	s25 =	simm.s32 $0x1B8E;
	s24 =	sld [smem:$0x3FFE];
	[sflag:s23] =	ssyncadd.s32 $0xFFFFFFFF  }
0xa5: {  	s26 =	simm.s32 $execute0_lowered;
	[smem:$0x3FD2] =	sst s25  }
0xa6: {  	s5 =	sshll.u32 s26, $0x1;
	_ =	strace $0x80000049;
	[dreg:$0x1] =	wrdreg $0xFFFFFFFF  }
0xa7: {  	s28 =	simm.s32 $_size_execute0_lowered;
	s3 =	sadd.s32 s3, s5;
	[dreg:$0x0] =	wrdreg $0x0  }
0xa8: {  	s5 =	sshll.u32 s28, $0x1;
	[dreg:$0x2] =	wrdreg s3  }
0xa9: {  	[dreg:$0x3] =	wrdreg s5  }
0xaa: {  	[dreg:$0x4] =	wrdreg $0xC0  }
0xab: {  	_ =	task [dreg:s7], $0x5FFFF  }
0xac: {  	[dreg:$0x1] =	wrdreg $0xFFFFFFFF  }
0xad: {  	[dreg:$0x0] =	wrdreg $0x60  }
0xae: {  	[dreg:$0x2] =	wrdreg s24  }
0xaf: {  	[dreg:$0x3] =	wrdreg s2  }
0xb0: {  	[dreg:$0x4] =	wrdreg $0x9  }
0xb1: {  	_ =	task.clear_ibuf [dreg:s7], $0x5FFFF;
	_ =	strace $0x90000049  }
0xb2: {  	s29 =	simm.s32 $0x9;
	_ =	strace $0x8000004B  }
0xb3: {  	_ =	swait.ge [sflag:s29], $0x1  }
0xb4: {  	[sflag:s29] =	ssyncadd.s32 $0xFFFFFFFF  }
0xb5: {  	_ =	strace $0x9000004B  }
0xb6: {  	_ =	sfence  }
0xb7: {  	s30 =	sld [smem:$0x0];
	_ =	sdelay $0x2  }
0xb8: {  	s31 =	sshll.u32 s1, $0xD;
	s1 =	sshrl.u32 s1, $0x2  }
0xb9: {  	s3 =	sand.u32 $0x4000, s31;
	s1 =	sadd.s32 s1, s30  }
0xba: {  	s0 =	sor.u32 s3, s0;
	s1 =	sshll.u32 s1, $0x11  }
0xbb: {  	s0 =	sor.u32 s1, s0  }
0xbc: {  	s0 =	sadd.s32 $0x8F2B, s0  }
0xbd: {  	[sflag:s0] =	ssyncadd.remote.s32 $0x1  }
0xbe: {  	_ =	sfence.sel $0xFFFF  }
0xbf: {  	[dreg:$0x0] =	wrdreg $0xFFFFFFFF;
	(pc) =	sbr.abs _section_cstart, $3  }
0xc0: {  	[dreg:$0x1] =	wrdreg $0xFFFFFFFF  }
0xc1: {  	_ =	task.clear_ibuf [dreg:s7], $0x2FFFF;
	_ =	strace $0x9FFFFFFF  }
0xc2: {  	(tm) =	ssettm $0x7FFFFFFF  }
0xc3: {  	_ =	shalt  }
tec
execute0_lowered:
.L_overlay_start_1:
0x0: {  	(tag) =	ssettag $0x1  }
0x1: {  	s1 =	srdreg.scid;
	s4 =	rddreg [dreg:$0x0]  }
0x2: {  	s0 =	stileid.u32;
	s2 =	rddreg [dreg:$0x1]  }
0x3: {  	s19 =	simm.s32 $0x10000;
	s20 =	simm.s32 $0x800;
	s22 =	simm.s32 $0x1000  }
0x4: {  	s23 =	simm.s32 $0x1800;
	s24 =	simm.s32 $0x2000;
	s7 =	simm.s32 $0x2800  }
0x5: {  	s8 =	simm.s32 $0x3000;
	s25 =	simm.s32 $0x3800;
	s26 =	simm.s32 $0x4000  }
0x6: {  	s10 =	simm.s32 $0x5000;
	s11 =	simm.s32 $0x5800;
	s1 =	sand.u32 $0x1, s1  }
0x7: {  	s12 =	simm.s32 $0x6000;
	s3 =	sshll.u32 s0, $0x7;
	s5 =	sshll.u32 s1, $0x6  }
0x8: {  	s13 =	simm.s32 $0x6800;
	s5 =	sor.u32 s5, s3;
	s3 =	simm.s32 $0x0  }
0x9: {  	s14 =	simm.s32 $0x7000;
	s15 =	simm.s32 $0x7800;
	[smem:$0x7FF] =	sst s3  }
0xa: {  	s16 =	simm.s32 $0x8000;
	_ =	strace $0x8000004A;
	[dreg:$0x5] =	wrdreg s19  }
0xb: {  	s17 =	simm.s32 $0x8800;
	s28 =	simm.s32 $0xD800;
	[dreg:$0x6] =	wrdreg s20  }
0xc: {  	s29 =	simm.s32 $0xE000;
	s30 =	simm.s32 $0xE800;
	[dreg:$0x7] =	wrdreg s22  }
0xd: {  	s31 =	simm.s32 $0xF000;
	s1 =	ssub.s32 $0x2, s1;
	[dreg:$0x8] =	wrdreg s23  }
0xe: {  	s21 =	sshrl.u32 s1, $0x1;
	s6 =	sshrl.u32 s5, $0x3;
	[dreg:$0x9] =	wrdreg s24  }
0xf: {  	s5 =	sshll.u32 s5, $0x7;
	s1 =	ssub.s32 s1, s21;
	[dreg:$0xa] =	wrdreg s7  }
0x10: {  	s21 =	simm.s32 $0xA800;
	s6 =	sadd.s32 s6, s4;
	[dreg:$0xb] =	wrdreg s8  }
0x11: {  	s4 =	sadd.s32 s5, s4;
	s5 =	sadd.s32 $0x200, s2;
	[dreg:$0xc] =	wrdreg s25  }
0x12: {  	s7 =	smax.u32 s1, $0x1;
	s8 =	simm.s32 $0x1;
	[dreg:$0xd] =	wrdreg s26  }
0x13: {  	s19 =	simm.s32 $0x9800;
	s20 =	simm.s32 $0xA000;
	s22 =	simm.s32 $0xB000  }
0x14: {  	s23 =	simm.s32 $0xB800;
	s24 =	simm.s32 $0xC000;
	s25 =	simm.s32 $0xC800  }
0x15: {  	v2 =	vlaneseq.u32;
	s26 =	simm.s32 $0xD000;
	s1 =	simm.s32 $0xF800;
	s18 =	sadd.s32 $0x1600, s6  }
0x16: {  	vm0 =	vmmov $0xffff;
	v1 =	vshrl.u32 v2, $0x3;
	s4 =	sadd.s32 $0x1800, s4;
	s6 =	sadd.s32 $0x300, s2;
	[dreg:$0x3] =	wrdreg s18  }
0x17: {  	v0 =	vand.u32 $0x7, v2;
	v2 =	vor.u32 $0x8, v2;
	v1 =	vmul.u32 $0x8, v1;
	[dreg:$0x4] =	wrdreg s4;
	s4 =	sadd.s32 $0x100, s2;
	s18 =	simm.s32 $0x9000  }
.LBB2_1:
0x18: {  	s0 =	rddreg [dreg:$0x3]  }
0x19: {  	s9 =	rddreg [dreg:$0x5]  }
0x1a: {  	[tilespmem:s9], [sflag:$0x1] =	stream.linear.gather [hbm4b:s0+s3], $0x40, $0x38;
	[tilespmem:$0x10080] =	vst v63  }
0x1b: {  	_ =	swait.ge [sflag:s8], $0x40  }
0x1c: {  	[sflag:s8] =	ssyncset.done $0x0  }
0x1d: {  	s9 =	rddreg [dreg:$0x4];
	[sflag:s8] =	ssyncadd.s32 $0xFFFFFFC0  }
0x1e: {  	[tilespmem:s3], [sflag:$0x1] =	stream.linear.gather [hbm4b:s9+s3], $0x10000, $0x38;
	[tilespmem:$0x10080] =	vst v63  }
0x1f: {  	_ =	swait.ge [sflag:s8], $0x10000  }
0x20: {  	[sflag:s8] =	ssyncset.done $0x0  }
0x21: {  	[sflag:s8] =	ssyncadd.s32 $0xFFFF0000  }
0x22: {  	v3 =	vld [tilespmem:$0x10000];
	_ =	sdelay $0x4  }
0x23: {  	v4 =	vshll.u32 v3, $0x3  }
0x24: {  	v3 =	vand.u32 $0x7, v3;
	v4 =	vand.u32 $0xFFFFFFC0, v4  }
0x25: {  	v3 =	vor.u32 v3, v4  }
0x26: {  	v4 =	vperm.xlane v3, v0;
	_ =	sdelay $0x1  }
0x27: {  	v4 =	vadd.s32 v1, v4;
	_ =	sdelay $0x4  }
0x28: {  	[hbm4b:s2+s3] =	stream.indirect_vreg.scatter [tilespmem:s3], [sflag:$0x1], $0x80, v4, vm0, $0xb8;
	[tilespmem:$0x10080] =	vst v63  }
0x29: {  	s0 =	rddreg [dreg:$0x6];
	v3 =	vperm.xlane v3, v2  }
0x2a: {  	[hbm4b:s4+s3] =	stream.indirect_vreg.scatter [tilespmem:s0], [sflag:$0x1], $0x80, v4, vm0, $0xb8;
	[tilespmem:$0x10080] =	vst v63  }
0x2b: {  	s9 =	rddreg [dreg:$0x7];
	v3 =	vadd.s32 v1, v3  }
0x2c: {  	[hbm4b:s5+s3] =	stream.indirect_vreg.scatter [tilespmem:s9], [sflag:$0x1], $0x80, v4, vm0, $0xb8;
	[tilespmem:$0x10080] =	vst v63  }
0x2d: {  	s0 =	rddreg [dreg:$0x8]  }
0x2e: {  	[hbm4b:s6+s3] =	stream.indirect_vreg.scatter [tilespmem:s0], [sflag:$0x1], $0x80, v4, vm0, $0xb8;
	[tilespmem:$0x10080] =	vst v63  }
0x2f: {  	s9 =	rddreg [dreg:$0x9]  }
0x30: {  	[hbm4b:s2+s3] =	stream.indirect_vreg.scatter [tilespmem:s9], [sflag:$0x1], $0x80, v3, vm0, $0xb8;
	[tilespmem:$0x10080] =	vst v63  }
0x31: {  	s0 =	rddreg [dreg:$0xa]  }
0x32: {  	[hbm4b:s4+s3] =	stream.indirect_vreg.scatter [tilespmem:s0], [sflag:$0x1], $0x80, v3, vm0, $0xb8;
	[tilespmem:$0x10080] =	vst v63  }
0x33: {  	s9 =	rddreg [dreg:$0xb]  }
0x34: {  	[hbm4b:s5+s3] =	stream.indirect_vreg.scatter [tilespmem:s9], [sflag:$0x1], $0x80, v3, vm0, $0xb8;
	[tilespmem:$0x10080] =	vst v63  }
0x35: {  	s0 =	rddreg [dreg:$0xc]  }
0x36: {  	[hbm4b:s6+s3] =	stream.indirect_vreg.scatter [tilespmem:s0], [sflag:$0x1], $0x80, v3, vm0, $0xb8;
	[tilespmem:$0x10080] =	vst v63  }
0x37: {  	v3 =	vld [tilespmem:$0x10010];
	_ =	sdelay $0x4  }
0x38: {  	v61 =	vshll.u32 v3, $0x3  }
0x39: {  	v3 =	vand.u32 $0x7, v3;
	v4 =	vand.u32 $0xFFFFFFC0, v61  }
0x3a: {  	v3 =	vor.u32 v3, v4  }
0x3b: {  	v4 =	vperm.xlane v3, v0;
	_ =	sdelay $0x1  }
0x3c: {  	v4 =	vadd.s32 v1, v4;
	_ =	sdelay $0x3  }
0x3d: {  	s9 =	rddreg [dreg:$0xd]  }
0x3e: {  	[hbm4b:s2+s3] =	stream.indirect_vreg.scatter [tilespmem:s9], [sflag:$0x1], $0x80, v4, vm0, $0xb8;
	[tilespmem:$0x10080] =	vst v63  }
0x3f: {  	v3 =	vperm.xlane v3, v2;
	s9 =	simm.s32 $0x4800  }
0x40: {  	[hbm4b:s4+s3] =	stream.indirect_vreg.scatter [tilespmem:s9], [sflag:$0x1], $0x80, v4, vm0, $0xb8;
	[tilespmem:$0x10080] =	vst v63  }
0x41: {  	v3 =	vadd.s32 v1, v3  }
0x42: {  	[hbm4b:s5+s3] =	stream.indirect_vreg.scatter [tilespmem:s10], [sflag:$0x1], $0x80, v4, vm0, $0xb8;
	[tilespmem:$0x10080] =	vst v63  }
0x43: {  	_ = 	snop  }
0x44: {  	[hbm4b:s6+s3] =	stream.indirect_vreg.scatter [tilespmem:s11], [sflag:$0x1], $0x80, v4, vm0, $0xb8;
	[tilespmem:$0x10080] =	vst v63  }
0x45: {  	_ = 	snop  }
0x46: {  	[hbm4b:s2+s3] =	stream.indirect_vreg.scatter [tilespmem:s12], [sflag:$0x1], $0x80, v3, vm0, $0xb8;
	[tilespmem:$0x10080] =	vst v63  }
0x47: {  	_ = 	snop  }
0x48: {  	[hbm4b:s4+s3] =	stream.indirect_vreg.scatter [tilespmem:s13], [sflag:$0x1], $0x80, v3, vm0, $0xb8;
	[tilespmem:$0x10080] =	vst v63  }
0x49: {  	_ = 	snop  }
0x4a: {  	[hbm4b:s5+s3] =	stream.indirect_vreg.scatter [tilespmem:s14], [sflag:$0x1], $0x80, v3, vm0, $0xb8;
	[tilespmem:$0x10080] =	vst v63  }
0x4b: {  	_ = 	snop  }
0x4c: {  	[hbm4b:s6+s3] =	stream.indirect_vreg.scatter [tilespmem:s15], [sflag:$0x1], $0x80, v3, vm0, $0xb8;
	[tilespmem:$0x10080] =	vst v63  }
0x4d: {  	v3 =	vld [tilespmem:$0x10020];
	_ =	sdelay $0x4  }
0x4e: {  	v62 =	vshll.u32 v3, $0x3  }
0x4f: {  	v3 =	vand.u32 $0x7, v3;
	v4 =	vand.u32 $0xFFFFFFC0, v62  }
0x50: {  	v3 =	vor.u32 v3, v4  }
0x51: {  	v4 =	vperm.xlane v3, v0;
	_ =	sdelay $0x1  }
0x52: {  	v4 =	vadd.s32 v1, v4;
	_ =	sdelay $0x4  }
0x53: {  	[hbm4b:s2+s3] =	stream.indirect_vreg.scatter [tilespmem:s16], [sflag:$0x1], $0x80, v4, vm0, $0xb8;
	[tilespmem:$0x10080] =	vst v63  }
0x54: {  	v3 =	vperm.xlane v3, v2  }
0x55: {  	[hbm4b:s4+s3] =	stream.indirect_vreg.scatter [tilespmem:s17], [sflag:$0x1], $0x80, v4, vm0, $0xb8;
	[tilespmem:$0x10080] =	vst v63  }
0x56: {  	v3 =	vadd.s32 v1, v3  }
0x57: {  	[hbm4b:s5+s3] =	stream.indirect_vreg.scatter [tilespmem:s18], [sflag:$0x1], $0x80, v4, vm0, $0xb8;
	[tilespmem:$0x10080] =	vst v63  }
0x58: {  	_ = 	snop  }
0x59: {  	[hbm4b:s6+s3] =	stream.indirect_vreg.scatter [tilespmem:s19], [sflag:$0x1], $0x80, v4, vm0, $0xb8;
	[tilespmem:$0x10080] =	vst v63  }
0x5a: {  	_ = 	snop  }
0x5b: {  	[hbm4b:s2+s3] =	stream.indirect_vreg.scatter [tilespmem:s20], [sflag:$0x1], $0x80, v3, vm0, $0xb8;
	[tilespmem:$0x10080] =	vst v63  }
0x5c: {  	_ = 	snop  }
0x5d: {  	[hbm4b:s4+s3] =	stream.indirect_vreg.scatter [tilespmem:s21], [sflag:$0x1], $0x80, v3, vm0, $0xb8;
	[tilespmem:$0x10080] =	vst v63  }
0x5e: {  	_ = 	snop  }
0x5f: {  	[hbm4b:s5+s3] =	stream.indirect_vreg.scatter [tilespmem:s22], [sflag:$0x1], $0x80, v3, vm0, $0xb8;
	[tilespmem:$0x10080] =	vst v63  }
0x60: {  	_ = 	snop  }
0x61: {  	[hbm4b:s6+s3] =	stream.indirect_vreg.scatter [tilespmem:s23], [sflag:$0x1], $0x80, v3, vm0, $0xb8;
	[tilespmem:$0x10080] =	vst v63  }
0x62: {  	v3 =	vld [tilespmem:$0x10030];
	_ =	sdelay $0x4  }
0x63: {  	v63 =	vshll.u32 v3, $0x3  }
0x64: {  	v3 =	vand.u32 $0x7, v3;
	v4 =	vand.u32 $0xFFFFFFC0, v63  }
0x65: {  	v3 =	vor.u32 v3, v4  }
0x66: {  	v4 =	vperm.xlane v3, v0;
	_ =	sdelay $0x1  }
0x67: {  	v4 =	vadd.s32 v1, v4;
	_ =	sdelay $0x4  }
0x68: {  	[hbm4b:s2+s3] =	stream.indirect_vreg.scatter [tilespmem:s24], [sflag:$0x1], $0x80, v4, vm0, $0xb8;
	[tilespmem:$0x10080] =	vst v63  }
0x69: {  	v3 =	vperm.xlane v3, v2  }
0x6a: {  	[hbm4b:s4+s3] =	stream.indirect_vreg.scatter [tilespmem:s25], [sflag:$0x1], $0x80, v4, vm0, $0xb8;
	[tilespmem:$0x10080] =	vst v63  }
0x6b: {  	v3 =	vadd.s32 v1, v3  }
0x6c: {  	[hbm4b:s5+s3] =	stream.indirect_vreg.scatter [tilespmem:s26], [sflag:$0x1], $0x80, v4, vm0, $0xb8;
	[tilespmem:$0x10080] =	vst v63  }
0x6d: {  	_ = 	snop  }
0x6e: {  	[hbm4b:s6+s3] =	stream.indirect_vreg.scatter [tilespmem:s28], [sflag:$0x1], $0x80, v4, vm0, $0xb8;
	[tilespmem:$0x10080] =	vst v63  }
0x6f: {  	_ = 	snop  }
0x70: {  	[hbm4b:s2+s3] =	stream.indirect_vreg.scatter [tilespmem:s29], [sflag:$0x1], $0x80, v3, vm0, $0xb8;
	[tilespmem:$0x10080] =	vst v63  }
0x71: {  	_ = 	snop  }
0x72: {  	[hbm4b:s4+s3] =	stream.indirect_vreg.scatter [tilespmem:s30], [sflag:$0x1], $0x80, v3, vm0, $0xb8;
	[tilespmem:$0x10080] =	vst v63  }
0x73: {  	p0 =	sne.s32 s7, $0x1  }
0x74: {  	[hbm4b:s5+s3] =	stream.indirect_vreg.scatter [tilespmem:s31], [sflag:$0x1], $0x80, v3, vm0, $0xb8;
	[tilespmem:$0x10080] =	vst v63  }
.Ltmp0:
0x75: {  	_ = 	snop;
	(pc) =	sbr.rel @p0 .LBB2_1-.Ltmp0, $4  }
0x76: {  	[hbm4b:s6+s3] =	stream.indirect_vreg.scatter [tilespmem:s1], [sflag:$0x1], $0x80, v3, vm0, $0xb8;
	[tilespmem:$0x10080] =	vst v63  }
0x77: {  	_ =	swait.ge [sflag:s8], $0x10000  }
0x78: {  	[sflag:s8] =	ssyncset.done $0x0  }
0x79: {  	s7 =	sadd.s32 $0xFFFFFFFF, s7;
	[sflag:s8] =	ssyncadd.s32 $0xFFFF0000  }
0x7a: {  	_ =	sfence.sel $0x180000  }
0x7b: {  	[bflag:$0x0] =	sbarrier.arrive $0xFFFF  }
0x7c: {  	_ =	strace $0x9000004A  }
0x7d: {  	s0 =	stileid.u32;
	[bflag:$0x2] =	sbarrier.arrive $0xFFFF  }
0x7e: {  	p0 =	sne.s32 s0, $0x0;
	s0 =	rddreg [dreg:$0x2]  }
0x7f: {  	s0 =	sadd.s32 @!p0 $0x100000, s0  }
0x80: {  	[sflag:s0] =	ssyncadd.tile.s32 @!p0 $0x1;
	_ =	shalt  }
.Lfunc_end2:
_tile_overlayer_lowered:
.L_overlay_start_2:
0x81: {  	(tag) =	ssettag $0x2  }
0x82: {  	s0 =	rddreg [dreg:$0x0];
	s2 =	stileid.u32  }
0x83: {  	s1 =	rddreg [dreg:$0x1];
	p0 =	sne.s32 s2, $0x0  }
0x84: {  	s3 =	rddreg [dreg:$0x2];
	[bflag:$0x3] =	sbarrier.arrive $0xFFFF;
	s2 =	simm.s32 @!p0 $0x1C01  }
0x85: {  	[timem:s3], [sflag:s2] =	dma.local @!p0 [hbm:s0], s1  }
0x86: {  	s0 =	simm.s32 @!p0 $0x1  }
0x87: {  	_ =	swait.ge @!p0 [sflag:s0], s1  }
0x88: {  	s1 =	ssub.s32 @!p0 $0x0, s1;
	[sflag:s0] =	ssyncset.done @!p0 $0x0  }
0x89: {  	[sflag:s0] =	ssyncadd.s32 @!p0 s1  }
0x8a: {  	[bflag:$0x3] =	sbarrier.arrive $0xFFFF  }
0x8b: {  	_ =	shalt  }

// kernel: kernel.7.cloned.1.call-start
scs
__scs_entry_jumppad:
0x0: {  	(pc) =	sbr.rel $0x88, $3  }
0x1: {  	(tag) =	ssettag $0x0;
	lr =	simm.s32 $0x1  }
0x2: {  	[smem:$0x3F97] =	sst lr;
	_ =	strace $0xD0000000  }
0x3: {  	_ = 	snop  }
0x4: {  	_ = 	snop  }
0x5: {  	_ = 	snop  }
0x6: {  	_ = 	snop  }
0x7: {  	_ = 	snop  }
__scs_overlays_trampoline_lowered:
0x8: {  	[smem:$0x3FA6] =	sst s0  }
0x9: {  	[smem:$0x3FA7] =	sst s1  }
0xa: {  	[smem:$0x3FA8] =	sst s2  }
0xb: {  	[smem:$0x3FA9] =	sst s3  }
0xc: {  	[smem:$0x3FAA] =	sst s4  }
0xd: {  	[smem:$0x3FAB] =	sst s5  }
0xe: {  	[smem:$0x3FAC] =	sst s6  }
0xf: {  	[smem:$0x3FAD] =	sst s7  }
0x10: {  	[smem:$0x3FAE] =	sst s8  }
0x11: {  	[smem:$0x3FAF] =	sst s9;
	s0 =	simm.s32 @!p0 $0x0  }
0x12: {  	s1 =	sld [smem:$0x3F95];
	s0 =	simm.s32 @p0 $0x1  }
0x13: {  	[smem:$0x3FB0] =	sst s0;
	s0 =	simm.s32 @!p1 $0x0  }
0x14: {  	s2 =	sld [smem:$0x3F94];
	s0 =	simm.s32 @p1 $0x1  }
0x15: {  	[smem:$0x3FB1] =	sst s0;
	s0 =	simm.s32 @!p2 $0x0  }
0x16: {  	s3 =	sld [smem:$0x3FDB];
	s0 =	simm.s32 @p2 $0x1  }
0x17: {  	s4 =	simm.s32 $0x1BF5;
	[smem:$0x3FB3] =	sst s0  }
0x18: {  	s0 =	sld [smem:$0x3F96];
	_ =	swait.ge [sflag:s4], $0x0  }
0x19: {  	s7 =	sld [smem:$0x3F97]  }
0x1a: {  	s8 =	sadd.s32 $0xFFFFE003, lr  }
0x1b: {  	s9 =	sadd.s32 $0xFFFFFEF7, lr;
	s5 =	simm.s32 $0xFFFFFFFF;
	p2 =	slt.u32 s8, $0xFFFFF086  }
0x1c: {  	p1 =	slt.u32 s9, $0xF7A;
	s5 =	simm.s32 @!p2 $0x0  }
0x1d: {  	s5 =	simm.s32 @p1 $0x1;
	p0 =	seq.s32 s7, s2  }
0x1e: {  	s7 =	smul.u32 @!p0 $0xF7A, s2;
	p2 =	seq.s32 @!p0 s5, $0x0  }
0x1f: {  	s9 =	smul.u32 $0xF7A, s1;
	s8 =	simm.s32 @!p0 $0x1BF5;
	p2 =	por !p2, p0  }
0x20: {  	[sflag:s8] =	ssyncset.s32 @!p0 $0xFFFFF086;
	s6 =	sadd.s32 @!p0 s3, s7;
	s7 =	simm.s32 @!p0 $0x108  }
0x21: {  	s3 =	sadd.s32 s3, s9;
	s6 =	sadd.s32 @!p0 $0x88, s6;
	s7 =	simm.s32 @p2 $0x1082  }
0x22: {  	[simem:s7], [sflag:s8] =	dma.local @!p0 [hbm:s6], $0xF7A  }
0x23: {  	s9 =	sor.u32 $0xD0000000, s2;
	s6 =	simm.s32 $0x108;
	_ =	swait.ge @!p0 [sflag:s8], $0x0  }
0x24: {  	s3 =	sadd.s32 $0x88, s3;
	s6 =	simm.s32 @!p1 $0x1082;
	[sflag:s4] =	ssyncset.s32 $0xFFFFF086  }
0x25: {  	[simem:s6], [sflag:s4] =	dma.local [hbm:s3], $0xF7A  }
0x26: {  	[smem:$0x3F97] =	sst s1;
	(tag) =	ssettag s2;
	_ =	strace s9  }
0x27: {  	s1 =	sld [smem:$0x3FA7]  }
0x28: {  	s2 =	sld [smem:$0x3FA8]  }
0x29: {  	s4 =	sld [smem:$0x3FAA]  }
0x2a: {  	p0 =	seq.s32 s5, $0x0;
	s5 =	sld [smem:$0x3FAB]  }
0x2b: {  	s6 =	sld [smem:$0x3FAC]  }
0x2c: {  	s7 =	sld [smem:$0x3FAD]  }
0x2d: {  	s3 =	simm.s32 $0x108;
	s8 =	sld [smem:$0x3FAE]  }
0x2e: {  	s3 =	simm.s32 @!p0 $0x1082;
	s9 =	sld [smem:$0x3FAF]  }
0x2f: {  	lr =	sadd.s32 s0, s3;
	s0 =	sld [smem:$0x3FA6]  }
0x30: {  	s3 =	sld [smem:$0x3FA9]  }
0x31: {  	[smem:$0x3FB2] =	sst s10  }
0x32: {  	s10 =	sld [smem:$0x3FB0];
	_ =	sdelay $0x3  }
0x33: {  	p0 =	seq.s32 s10, $0x1;
	s10 =	sld [smem:$0x3FB2];
	_ =	sdelay $0x3  }
0x34: {  	[smem:$0x3FB2] =	sst s10  }
0x35: {  	s10 =	sld [smem:$0x3FB1];
	_ =	sdelay $0x3  }
0x36: {  	p1 =	seq.s32 s10, $0x1;
	s10 =	sld [smem:$0x3FB2];
	_ =	sdelay $0x3  }
0x37: {  	[smem:$0x3FB2] =	sst s10  }
0x38: {  	s10 =	sld [smem:$0x3FB3]  }
0x39: {  	_ = 	snop;
	(pc) =	sbr.ind lr, $3  }
0x3a: {  	_ = 	snop  }
0x3b: {  	_ = 	snop  }
0x3c: {  	p2 =	seq.s32 s10, $0x1;
	s10 =	sld [smem:$0x3FB2]  }
0x3d: {  	_ =	shalt  }
0x3e: {  	_ =	shalt  }
0x3f: {  	_ =	shalt  }
0x40: {  	_ =	shalt  }
0x41: {  	_ =	shalt  }
0x42: {  	_ =	shalt  }
0x43: {  	_ =	shalt  }
0x44: {  	_ =	shalt  }
0x45: {  	_ =	shalt  }
0x46: {  	_ =	shalt  }
0x47: {  	_ =	shalt  }
0x48: {  	_ =	shalt  }
0x49: {  	_ =	shalt  }
0x4a: {  	_ =	shalt  }
0x4b: {  	_ =	shalt  }
0x4c: {  	_ =	shalt  }
0x4d: {  	_ =	shalt  }
0x4e: {  	_ =	shalt  }
0x4f: {  	_ =	shalt  }
0x50: {  	_ =	shalt  }
0x51: {  	_ =	shalt  }
0x52: {  	_ =	shalt  }
0x53: {  	_ =	shalt  }
0x54: {  	_ =	shalt  }
0x55: {  	_ =	shalt  }
0x56: {  	_ =	shalt  }
0x57: {  	_ =	shalt  }
0x58: {  	_ =	shalt  }
0x59: {  	_ =	shalt  }
0x5a: {  	_ =	shalt  }
0x5b: {  	_ =	shalt  }
0x5c: {  	_ =	shalt  }
0x5d: {  	_ =	shalt  }
0x5e: {  	_ =	shalt  }
0x5f: {  	_ =	shalt  }
0x60: {  	_ =	shalt  }
0x61: {  	_ =	shalt  }
0x62: {  	_ =	shalt  }
0x63: {  	_ =	shalt  }
0x64: {  	_ =	shalt  }
0x65: {  	_ =	shalt  }
0x66: {  	_ =	shalt  }
0x67: {  	_ =	shalt  }
0x68: {  	_ =	shalt  }
0x69: {  	_ =	shalt  }
0x6a: {  	_ =	shalt  }
0x6b: {  	_ =	shalt  }
0x6c: {  	_ =	shalt  }
0x6d: {  	_ =	shalt  }
0x6e: {  	_ =	shalt  }
0x6f: {  	_ =	shalt  }
0x70: {  	_ =	shalt  }
0x71: {  	_ =	shalt  }
0x72: {  	_ =	shalt  }
0x73: {  	_ =	shalt  }
0x74: {  	_ =	shalt  }
0x75: {  	_ =	shalt  }
0x76: {  	_ =	shalt  }
0x77: {  	_ =	shalt  }
0x78: {  	_ =	shalt  }
0x79: {  	_ =	shalt  }
0x7a: {  	_ =	shalt  }
0x7b: {  	_ =	shalt  }
0x7c: {  	_ =	shalt  }
0x7d: {  	_ =	shalt  }
0x7e: {  	_ =	shalt  }
0x7f: {  	_ =	shalt  }
0x80: {  	_ =	shalt  }
0x81: {  	_ =	shalt  }
0x82: {  	_ =	shalt  }
0x83: {  	_ =	shalt  }
0x84: {  	_ =	shalt  }
0x85: {  	_ =	shalt  }
0x86: {  	_ =	shalt  }
0x87: {  	_ =	shalt  }
.Lfunc_end0:
.L_simem_size_0:
called_computation_lowered:
.L_overlay_start_0:
0x88: {  	s2 =	sld [smem:$0x3FD9]  }
0x89: {  	s3 =	sld [smem:$0x3FFE];
	_ =	sdelay $0x1  }
0x8a: {  	s1 =	srdreg.scid  }
0x8b: {  	s0 =	sand.u32 $0x1, s1  }
0x8c: {  	s17 =	sshll.u32 s0, $0xA;
	s2 =	sadd.s32 s3, s2  }
0x8d: {  	s2 =	sadd.s32 s2, s17  }
0x8e: {  	[smem:$0x3FBE] =	sst s2  }
0x8f: {  	_ = 	snop  }
0x90: {  	s2 =	sld [smem:$0x3FC9];
	(tm) =	ssettm $0x1  }
0x91: {  	s18 =	sld [smem:$0x3FFB];
	_ =	sdelay $0x3  }
0x92: {  	_ =	strace s18  }
0x93: {  	s3 =	sld [smem:$0x3FFC];
	_ =	sdelay $0x3  }
0x94: {  	_ =	strace s3  }
0x95: {  	s3 =	sld [smem:$0x3FFD];
	_ =	sdelay $0x3  }
0x96: {  	_ =	strace s3  }
0x97: {  	_ =	strace $0x8FFFFFFF  }
0x98: {  	s19 =	sld [smem:$0x3FDB];
	_ =	sdelay $0x1  }
0x99: {  	s4 =	simm.s32 $_scs_section_size  }
0x9a: {  	s5 =	simm.s32 $_size__tile_overlayer_lowered;
	s6 =	simm.s32 $_tile_overlayer_lowered  }
0x9b: {  	s22 =	simm.s32 $0x1BFF;
	s21 =	sshll.u32 s6, $0x1;
	s3 =	sadd.s32 s4, s19  }
0x9c: {  	s7 =	simm.s32 $0x0;
	s20 =	sshll.u32 s5, $0x1;
	s5 =	sadd.s32 s21, s3  }
0x9d: {  	[timem:s7], [sflag:s22] =	dma.local [hbm:s5], s20  }
0x9e: {  	_ =	swait.ge [sflag:s22], s20  }
0x9f: {  	s4 =	ssub.s32 $0x0, s20;
	[sflag:s22] =	ssyncset.done $0x0  }
0xa0: {  	[sflag:s22] =	ssyncadd.s32 s4;
	_ =	sdelay $0x1  }
0xa1: {  	s23 =	simm.s32 $0x1B8B  }
0xa2: {  	_ =	swait.ge [sflag:s23], $0x1  }
0xa3: {  	[sflag:s23] =	ssyncset.done $0x0  }
0xa4: {  	s25 =	simm.s32 $0x1B8E;
	s24 =	sld [smem:$0x3FFE];
	[sflag:s23] =	ssyncadd.s32 $0xFFFFFFFF  }
0xa5: {  	s26 =	simm.s32 $execute0_lowered;
	[smem:$0x3FD2] =	sst s25  }
0xa6: {  	s5 =	sshll.u32 s26, $0x1;
	_ =	strace $0x80000046;
	[dreg:$0x1] =	wrdreg $0xFFFFFFFF  }
0xa7: {  	s28 =	simm.s32 $_size_execute0_lowered;
	s3 =	sadd.s32 s3, s5;
	[dreg:$0x0] =	wrdreg $0x0  }
0xa8: {  	s5 =	sshll.u32 s28, $0x1;
	[dreg:$0x2] =	wrdreg s3  }
0xa9: {  	[dreg:$0x3] =	wrdreg s5  }
0xaa: {  	[dreg:$0x4] =	wrdreg $0xC0  }
0xab: {  	_ =	task [dreg:s7], $0x5FFFF  }
0xac: {  	[dreg:$0x1] =	wrdreg $0xFFFFFFFF  }
0xad: {  	[dreg:$0x0] =	wrdreg $0x60  }
0xae: {  	[dreg:$0x2] =	wrdreg s2  }
0xaf: {  	[dreg:$0x3] =	wrdreg s24  }
0xb0: {  	[dreg:$0x4] =	wrdreg $0x0  }
0xb1: {  	[dreg:$0x5] =	wrdreg $0x9  }
0xb2: {  	_ =	task.clear_ibuf [dreg:s7], $0x6FFFF;
	_ =	strace $0x90000046  }
0xb3: {  	s29 =	simm.s32 $0x9;
	_ =	strace $0x80000048  }
0xb4: {  	_ =	swait.ge [sflag:s29], $0x1  }
0xb5: {  	[sflag:s29] =	ssyncadd.s32 $0xFFFFFFFF  }
0xb6: {  	_ =	strace $0x90000048  }
0xb7: {  	_ =	sfence  }
0xb8: {  	s30 =	sld [smem:$0x0];
	_ =	sdelay $0x2  }
0xb9: {  	s31 =	sshll.u32 s1, $0xD;
	s1 =	sshrl.u32 s1, $0x2  }
0xba: {  	s3 =	sand.u32 $0x4000, s31;
	s1 =	sadd.s32 s1, s30  }
0xbb: {  	s0 =	sor.u32 s3, s0;
	s1 =	sshll.u32 s1, $0x11  }
0xbc: {  	s0 =	sor.u32 s1, s0  }
0xbd: {  	s0 =	sadd.s32 $0x8F2B, s0  }
0xbe: {  	[sflag:s0] =	ssyncadd.remote.s32 $0x1  }
0xbf: {  	_ =	sfence.sel $0xFFFF  }
0xc0: {  	[dreg:$0x0] =	wrdreg $0xFFFFFFFF;
	(pc) =	sbr.abs _section_cstart, $3  }
0xc1: {  	[dreg:$0x1] =	wrdreg $0xFFFFFFFF  }
0xc2: {  	_ =	task.clear_ibuf [dreg:s7], $0x2FFFF;
	_ =	strace $0x9FFFFFFF  }
0xc3: {  	(tm) =	ssettm $0x7FFFFFFF  }
tec
execute0_lowered:
.L_overlay_start_1:
0x0: {  	(tag) =	ssettag $0x1  }
0x1: {  	s25 =	rddreg [dreg:$0x0]  }
0x2: {  	s0 =	rddreg [dreg:$0x1]  }
0x3: {  	s2 =	rddreg [dreg:$0x2];
	s3 =	simm.s32 $0x0  }
0x4: {  	s1 =	stileid.u32;
	s5 =	srdreg.scid;
	s8 =	simm.s32 $0x2  }
0x5: {  	s10 =	simm.s32 $0x8;
	s11 =	simm.s32 $0x80;
	s12 =	simm.s32 $0x400  }
0x6: {  	s13 =	simm.s32 $0x2000;
	s14 =	simm.s32 $0x14000;
	[smem:$0x7FF] =	sst s3  }
0x7: {  	s4 =	sshll.u32 s1, $0x4;
	s26 =	sadd.s32 $0x1800, s0;
	s28 =	sand.u32 $0x1, s5  }
0x8: {  	s29 =	sshll.u32 s1, $0x13;
	s30 =	sshll.u32 s1, $0x11;
	s23 =	sshll.u32 s1, $0x10  }
0x9: {  	s15 =	sshll.u32 s1, $0x6;
	_ =	strace $0x80000047;
	s31 =	sshll.u32 s28, $0xC  }
0xa: {  	s4 =	sadd.s32 s4, s0;
	s9 =	sadd.s32 s23, s2;
	s7 =	sor.u32 s31, s30  }
0xb: {  	s4 =	sadd.s32 $0x1600, s4;
	s18 =	sshrl.u32 s7, $0x3;
	s7 =	simm.s32 $0x18000  }
0xc: {  	[tilespmem:s7], [sflag:$0x2] =	stream.linear.gather [hbm4b:s4+s3], $0x80, $0x38;
	[tilespmem:$0x18080] =	vst v63  }
0xd: {  	s15 =	sor.u32 $0x1C01, s15;
	s6 =	sor.u32 s31, s29;
	_ =	swait.ge [sflag:s8], $0x80  }
0xe: {  	s9 =	sshrl.u32 s9, $0x3;
	s24 =	sshrl.u32 s6, $0x3;
	[sflag:s8] =	ssyncset.done $0x0  }
0xf: {  	s5 =	sadd.s32 s25, s24;
	s6 =	sadd.s32 s26, s18;
	[sflag:s8] =	ssyncadd.s32 $0xFFFFFF80  }
0x10: {  	[spmem:s9@s11], [sflag:s15] =	dma.strided [hbm:s5@s12], $0x2000, s10, $0x10   }
0x11: {  	[tilespmem:s14], [sflag:$0x2] =	stream.strided.gather [hbm4b:s6+s12], $0x4000, s13, s12, $0x38;
	[tilespmem:$0x18080] =	vst v63  }
0x12: {  	_ =	swait.ge [sflag:s8], $0x4000  }
0x13: {  	[sflag:s8] =	ssyncset.done $0x0  }
0x14: {  	s16 =	simm.s32 $0x1;
	[sflag:s8] =	ssyncadd.s32 $0xFFFFC000  }
0x15: {  	_ =	swait.ge [sflag:s16], $0x2000  }
0x16: {  	[sflag:s16] =	ssyncset.done $0x0  }
0x17: {  	[sflag:s16] =	ssyncadd.s32 $0xFFFFE000  }
0x18: {  	[bflag:$0x0] =	sbarrier.arrive $0xFFFF  }
0x19: {  	[spmem:s2] =	stream.indirect.scatter.add.f32 [tilespmem:s14], [sflag:$0x2], $0x80, s7, s11, $0xb8;
	[tilespmem:$0x18080] =	vst v63  }
0x1a: {  	_ =	swait.ge [sflag:s8], $0x4000  }
0x1b: {  	[sflag:s8] =	ssyncset.done $0x0  }
0x1c: {  	[sflag:s8] =	ssyncadd.s32 $0xFFFFC000  }
0x1d: {  	s17 =	simm.s32 $0x10000;
	[bflag:$0x0] =	sbarrier.arrive $0xFFFF  }
0x1e: {  	[tilespmem:s17], [sflag:$0x2] =	stream.indirect.gather [spmem:s2], $0x80, s7, s11, $0xb8;
	[tilespmem:$0x18080] =	vst v63  }
0x1f: {  	_ =	swait.ge [sflag:s8], $0x4000  }
0x20: {  	s0 =	sadd.s32 $0x41800, s0;
	[sflag:s8] =	ssyncset.done $0x0  }
0x21: {  	s18 =	sadd.s32 s0, s18;
	[sflag:s8] =	ssyncadd.s32 $0xFFFFC000  }
0x22: {  	[hbm4b:s18+s12] =	stream.strided.scatter [tilespmem:s17], [sflag:$0x2], $0x4000, s13, s12, $0x38;
	[tilespmem:$0x18080] =	vst v63  }
0x23: {  	s19 =	sor.u32 $0x400, s31;
	_ =	swait.ge [sflag:s8], $0x4000  }
0x24: {  	s20 =	sor.u32 s29, s19;
	s21 =	sor.u32 s30, s19;
	[sflag:s8] =	ssyncset.done $0x0  }
0x25: {  	s20 =	sshrl.u32 s20, $0x3;
	s21 =	sshrl.u32 s21, $0x3;
	[sflag:s8] =	ssyncadd.s32 $0xFFFFC000  }
0x26: {  	s19 =	sadd.s32 s25, s20;
	s20 =	sadd.s32 s26, s21;
	[bflag:$0x0] =	sbarrier.arrive $0xFFFF  }
0x27: {  	[spmem:s9@s11], [sflag:s15] =	dma.strided [hbm:s19@s12], $0x2000, s10, $0x10   }
0x28: {  	[tilespmem:s14], [sflag:$0x2] =	stream.strided.gather [hbm4b:s20+s12], $0x4000, s13, s12, $0x38;
	[tilespmem:$0x18080] =	vst v63  }
0x29: {  	_ =	swait.ge [sflag:s8], $0x4000  }
0x2a: {  	[sflag:s8] =	ssyncset.done $0x0  }
0x2b: {  	[sflag:s8] =	ssyncadd.s32 $0xFFFFC000  }
0x2c: {  	_ =	swait.ge [sflag:s16], $0x2000  }
0x2d: {  	[sflag:s16] =	ssyncset.done $0x0  }
0x2e: {  	[sflag:s16] =	ssyncadd.s32 $0xFFFFE000  }
0x2f: {  	[bflag:$0x0] =	sbarrier.arrive $0xFFFF  }
0x30: {  	[spmem:s2] =	stream.indirect.scatter.add.f32 [tilespmem:s14], [sflag:$0x2], $0x80, s7, s11, $0xb8;
	[tilespmem:$0x18080] =	vst v63  }
0x31: {  	_ =	swait.ge [sflag:s8], $0x4000  }
0x32: {  	[sflag:s8] =	ssyncset.done $0x0  }
0x33: {  	[sflag:s8] =	ssyncadd.s32 $0xFFFFC000  }
0x34: {  	[bflag:$0x0] =	sbarrier.arrive $0xFFFF  }
0x35: {  	[tilespmem:s17], [sflag:$0x2] =	stream.indirect.gather [spmem:s2], $0x80, s7, s11, $0xb8;
	[tilespmem:$0x18080] =	vst v63  }
0x36: {  	_ =	swait.ge [sflag:s8], $0x4000  }
0x37: {  	[sflag:s8] =	ssyncset.done $0x0  }
0x38: {  	s21 =	sadd.s32 s0, s21;
	[sflag:s8] =	ssyncadd.s32 $0xFFFFC000  }
0x39: {  	[hbm4b:s21+s12] =	stream.strided.scatter [tilespmem:s17], [sflag:$0x2], $0x4000, s13, s12, $0x38;
	[tilespmem:$0x18080] =	vst v63  }
0x3a: {  	s22 =	sor.u32 $0x800, s31;
	_ =	swait.ge [sflag:s8], $0x4000  }
0x3b: {  	s23 =	sor.u32 s29, s22;
	s24 =	sor.u32 s30, s22;
	[sflag:s8] =	ssyncset.done $0x0  }
0x3c: {  	s23 =	sshrl.u32 s23, $0x3;
	s24 =	sshrl.u32 s24, $0x3;
	[sflag:s8] =	ssyncadd.s32 $0xFFFFC000  }
0x3d: {  	s22 =	sadd.s32 s25, s23;
	s23 =	sadd.s32 s26, s24;
	[bflag:$0x0] =	sbarrier.arrive $0xFFFF  }
0x3e: {  	[spmem:s9@s11], [sflag:s15] =	dma.strided [hbm:s22@s12], $0x2000, s10, $0x10   }
0x3f: {  	[tilespmem:s14], [sflag:$0x2] =	stream.strided.gather [hbm4b:s23+s12], $0x4000, s13, s12, $0x38;
	[tilespmem:$0x18080] =	vst v63  }
0x40: {  	_ =	swait.ge [sflag:s8], $0x4000  }
0x41: {  	[sflag:s8] =	ssyncset.done $0x0  }
0x42: {  	[sflag:s8] =	ssyncadd.s32 $0xFFFFC000  }
0x43: {  	_ =	swait.ge [sflag:s16], $0x2000  }
0x44: {  	[sflag:s16] =	ssyncset.done $0x0  }
0x45: {  	[sflag:s16] =	ssyncadd.s32 $0xFFFFE000  }
0x46: {  	[bflag:$0x0] =	sbarrier.arrive $0xFFFF  }
0x47: {  	[spmem:s2] =	stream.indirect.scatter.add.f32 [tilespmem:s14], [sflag:$0x2], $0x80, s7, s11, $0xb8;
	[tilespmem:$0x18080] =	vst v63  }
0x48: {  	_ =	swait.ge [sflag:s8], $0x4000  }
0x49: {  	[sflag:s8] =	ssyncset.done $0x0  }
0x4a: {  	[sflag:s8] =	ssyncadd.s32 $0xFFFFC000  }
0x4b: {  	[bflag:$0x0] =	sbarrier.arrive $0xFFFF  }
0x4c: {  	[tilespmem:s17], [sflag:$0x2] =	stream.indirect.gather [spmem:s2], $0x80, s7, s11, $0xb8;
	[tilespmem:$0x18080] =	vst v63  }
0x4d: {  	_ =	swait.ge [sflag:s8], $0x4000  }
0x4e: {  	[sflag:s8] =	ssyncset.done $0x0  }
0x4f: {  	s24 =	sadd.s32 s0, s24;
	[sflag:s8] =	ssyncadd.s32 $0xFFFFC000  }
0x50: {  	[hbm4b:s24+s12] =	stream.strided.scatter [tilespmem:s17], [sflag:$0x2], $0x4000, s13, s12, $0x38;
	[tilespmem:$0x18080] =	vst v63  }
0x51: {  	s31 =	sor.u32 $0xC00, s31;
	_ =	swait.ge [sflag:s8], $0x4000  }
0x52: {  	s29 =	sor.u32 s29, s31;
	s30 =	sor.u32 s30, s31;
	[sflag:s8] =	ssyncset.done $0x0  }
0x53: {  	s29 =	sshrl.u32 s29, $0x3;
	s30 =	sshrl.u32 s30, $0x3;
	[sflag:s8] =	ssyncadd.s32 $0xFFFFC000  }
0x54: {  	s25 =	sadd.s32 s25, s29;
	s26 =	sadd.s32 s26, s30;
	[bflag:$0x0] =	sbarrier.arrive $0xFFFF  }
0x55: {  	[spmem:s9@s11], [sflag:s15] =	dma.strided [hbm:s25@s12], $0x2000, s10, $0x10   }
0x56: {  	[tilespmem:s14], [sflag:$0x2] =	stream.strided.gather [hbm4b:s26+s12], $0x4000, s13, s12, $0x38;
	[tilespmem:$0x18080] =	vst v63  }
0x57: {  	_ =	swait.ge [sflag:s8], $0x4000  }
0x58: {  	[sflag:s8] =	ssyncset.done $0x0  }
0x59: {  	[sflag:s8] =	ssyncadd.s32 $0xFFFFC000  }
0x5a: {  	_ =	swait.ge [sflag:s16], $0x2000  }
0x5b: {  	[sflag:s16] =	ssyncset.done $0x0  }
0x5c: {  	[sflag:s16] =	ssyncadd.s32 $0xFFFFE000  }
0x5d: {  	[bflag:$0x0] =	sbarrier.arrive $0xFFFF  }
0x5e: {  	[spmem:s2] =	stream.indirect.scatter.add.f32 [tilespmem:s14], [sflag:$0x2], $0x80, s7, s11, $0xb8;
	[tilespmem:$0x18080] =	vst v63  }
0x5f: {  	_ =	swait.ge [sflag:s8], $0x4000  }
0x60: {  	s28 =	ssub.s32 $0x2, s28;
	[sflag:s8] =	ssyncset.done $0x0  }
0x61: {  	s29 =	sshrl.u32 s28, $0x1;
	[sflag:s8] =	ssyncadd.s32 $0xFFFFC000  }
0x62: {  	s29 =	ssub.s32 s28, s29;
	[bflag:$0x0] =	sbarrier.arrive $0xFFFF  }
0x63: {  	[tilespmem:s17], [sflag:$0x2] =	stream.indirect.gather [spmem:s2], $0x80, s7, s11, $0xb8;
	[tilespmem:$0x18080] =	vst v63  }
0x64: {  	s31 =	smax.u32 s29, $0x1;
	_ =	swait.ge [sflag:s8], $0x4000  }
0x65: {  	p0 =	sne.s32 s31, $0x1;
	[sflag:s8] =	ssyncset.done $0x0  }
.Ltmp0:
0x66: {  	s28 =	sadd.s32 s0, s30;
	[sflag:s8] =	ssyncadd.s32 $0xFFFFC000;
	(pc) =	sbr.rel @!p0 .LBB2_2-.Ltmp0, $4  }
0x67: {  	[hbm4b:s28+s12] =	stream.strided.scatter [tilespmem:s17], [sflag:$0x2], $0x4000, s13, s12, $0x38;
	[tilespmem:$0x18080] =	vst v63  }
0x68: {  	_ =	swait.ge [sflag:s8], $0x4000  }
0x69: {  	[sflag:s8] =	ssyncset.done $0x0  }
0x6a: {  	s29 =	sadd.s32 $0xFFFFFFFF, s31;
	[sflag:s8] =	ssyncadd.s32 $0xFFFFC000  }
.LBB2_1:
0x6b: {  	p0 =	sne.s32 s29, $0x1;
	s29 =	sadd.s32 $0xFFFFFFFF, s29;
	[bflag:$0x0] =	sbarrier.arrive $0xFFFF  }
0x6c: {  	[tilespmem:s7], [sflag:$0x2] =	stream.linear.gather [hbm4b:s4+s3], $0x80, $0x38;
	[tilespmem:$0x18080] =	vst v63  }
0x6d: {  	_ =	swait.ge [sflag:s8], $0x80  }
0x6e: {  	[sflag:s8] =	ssyncset.done $0x0  }
0x6f: {  	[sflag:s8] =	ssyncadd.s32 $0xFFFFFF80  }
0x70: {  	[spmem:s9@s11], [sflag:s15] =	dma.strided [hbm:s5@s12], $0x2000, s10, $0x10   }
0x71: {  	[tilespmem:s14], [sflag:$0x2] =	stream.strided.gather [hbm4b:s6+s12], $0x4000, s13, s12, $0x38;
	[tilespmem:$0x18080] =	vst v63  }
0x72: {  	_ =	swait.ge [sflag:s8], $0x4000  }
0x73: {  	[sflag:s8] =	ssyncset.done $0x0  }
0x74: {  	[sflag:s8] =	ssyncadd.s32 $0xFFFFC000  }
0x75: {  	_ =	swait.ge [sflag:s16], $0x2000  }
0x76: {  	[sflag:s16] =	ssyncset.done $0x0  }
0x77: {  	[sflag:s16] =	ssyncadd.s32 $0xFFFFE000  }
0x78: {  	[bflag:$0x0] =	sbarrier.arrive $0xFFFF  }
0x79: {  	[spmem:s2] =	stream.indirect.scatter.add.f32 [tilespmem:s14], [sflag:$0x2], $0x80, s7, s11, $0xb8;
	[tilespmem:$0x18080] =	vst v63  }
0x7a: {  	_ =	swait.ge [sflag:s8], $0x4000  }
0x7b: {  	[sflag:s8] =	ssyncset.done $0x0  }
0x7c: {  	[sflag:s8] =	ssyncadd.s32 $0xFFFFC000  }
0x7d: {  	[bflag:$0x0] =	sbarrier.arrive $0xFFFF  }
0x7e: {  	[tilespmem:s17], [sflag:$0x2] =	stream.indirect.gather [spmem:s2], $0x80, s7, s11, $0xb8;
	[tilespmem:$0x18080] =	vst v63  }
0x7f: {  	_ =	swait.ge [sflag:s8], $0x4000  }
0x80: {  	[sflag:s8] =	ssyncset.done $0x0  }
0x81: {  	[sflag:s8] =	ssyncadd.s32 $0xFFFFC000  }
0x82: {  	[hbm4b:s18+s12] =	stream.strided.scatter [tilespmem:s17], [sflag:$0x2], $0x4000, s13, s12, $0x38;
	[tilespmem:$0x18080] =	vst v63  }
0x83: {  	_ =	swait.ge [sflag:s8], $0x4000  }
0x84: {  	[sflag:s8] =	ssyncset.done $0x0  }
0x85: {  	[sflag:s8] =	ssyncadd.s32 $0xFFFFC000  }
0x86: {  	[bflag:$0x0] =	sbarrier.arrive $0xFFFF  }
0x87: {  	[spmem:s9@s11], [sflag:s15] =	dma.strided [hbm:s19@s12], $0x2000, s10, $0x10   }
0x88: {  	[tilespmem:s14], [sflag:$0x2] =	stream.strided.gather [hbm4b:s20+s12], $0x4000, s13, s12, $0x38;
	[tilespmem:$0x18080] =	vst v63  }
0x89: {  	_ =	swait.ge [sflag:s8], $0x4000  }
0x8a: {  	[sflag:s8] =	ssyncset.done $0x0  }
0x8b: {  	[sflag:s8] =	ssyncadd.s32 $0xFFFFC000  }
0x8c: {  	_ =	swait.ge [sflag:s16], $0x2000  }
0x8d: {  	[sflag:s16] =	ssyncset.done $0x0  }
0x8e: {  	[sflag:s16] =	ssyncadd.s32 $0xFFFFE000  }
0x8f: {  	[bflag:$0x0] =	sbarrier.arrive $0xFFFF  }
0x90: {  	[spmem:s2] =	stream.indirect.scatter.add.f32 [tilespmem:s14], [sflag:$0x2], $0x80, s7, s11, $0xb8;
	[tilespmem:$0x18080] =	vst v63  }
0x91: {  	_ =	swait.ge [sflag:s8], $0x4000  }
0x92: {  	[sflag:s8] =	ssyncset.done $0x0  }
0x93: {  	[sflag:s8] =	ssyncadd.s32 $0xFFFFC000  }
0x94: {  	[bflag:$0x0] =	sbarrier.arrive $0xFFFF  }
0x95: {  	[tilespmem:s17], [sflag:$0x2] =	stream.indirect.gather [spmem:s2], $0x80, s7, s11, $0xb8;
	[tilespmem:$0x18080] =	vst v63  }
0x96: {  	_ =	swait.ge [sflag:s8], $0x4000  }
0x97: {  	[sflag:s8] =	ssyncset.done $0x0  }
0x98: {  	[sflag:s8] =	ssyncadd.s32 $0xFFFFC000  }
0x99: {  	[hbm4b:s21+s12] =	stream.strided.scatter [tilespmem:s17], [sflag:$0x2], $0x4000, s13, s12, $0x38;
	[tilespmem:$0x18080] =	vst v63  }
0x9a: {  	_ =	swait.ge [sflag:s8], $0x4000  }
0x9b: {  	[sflag:s8] =	ssyncset.done $0x0  }
0x9c: {  	[sflag:s8] =	ssyncadd.s32 $0xFFFFC000  }
0x9d: {  	[bflag:$0x0] =	sbarrier.arrive $0xFFFF  }
0x9e: {  	[spmem:s9@s11], [sflag:s15] =	dma.strided [hbm:s22@s12], $0x2000, s10, $0x10   }
0x9f: {  	[tilespmem:s14], [sflag:$0x2] =	stream.strided.gather [hbm4b:s23+s12], $0x4000, s13, s12, $0x38;
	[tilespmem:$0x18080] =	vst v63  }
0xa0: {  	_ =	swait.ge [sflag:s8], $0x4000  }
0xa1: {  	[sflag:s8] =	ssyncset.done $0x0  }
0xa2: {  	[sflag:s8] =	ssyncadd.s32 $0xFFFFC000  }
0xa3: {  	_ =	swait.ge [sflag:s16], $0x2000  }
0xa4: {  	[sflag:s16] =	ssyncset.done $0x0  }
0xa5: {  	[sflag:s16] =	ssyncadd.s32 $0xFFFFE000  }
0xa6: {  	[bflag:$0x0] =	sbarrier.arrive $0xFFFF  }
0xa7: {  	[spmem:s2] =	stream.indirect.scatter.add.f32 [tilespmem:s14], [sflag:$0x2], $0x80, s7, s11, $0xb8;
	[tilespmem:$0x18080] =	vst v63  }
0xa8: {  	_ =	swait.ge [sflag:s8], $0x4000  }
0xa9: {  	[sflag:s8] =	ssyncset.done $0x0  }
0xaa: {  	[sflag:s8] =	ssyncadd.s32 $0xFFFFC000  }
0xab: {  	[bflag:$0x0] =	sbarrier.arrive $0xFFFF  }
0xac: {  	[tilespmem:s17], [sflag:$0x2] =	stream.indirect.gather [spmem:s2], $0x80, s7, s11, $0xb8;
	[tilespmem:$0x18080] =	vst v63  }
0xad: {  	_ =	swait.ge [sflag:s8], $0x4000  }
0xae: {  	[sflag:s8] =	ssyncset.done $0x0  }
0xaf: {  	[sflag:s8] =	ssyncadd.s32 $0xFFFFC000  }
0xb0: {  	[hbm4b:s24+s12] =	stream.strided.scatter [tilespmem:s17], [sflag:$0x2], $0x4000, s13, s12, $0x38;
	[tilespmem:$0x18080] =	vst v63  }
0xb1: {  	_ =	swait.ge [sflag:s8], $0x4000  }
0xb2: {  	[sflag:s8] =	ssyncset.done $0x0  }
0xb3: {  	[sflag:s8] =	ssyncadd.s32 $0xFFFFC000  }
0xb4: {  	[bflag:$0x0] =	sbarrier.arrive $0xFFFF  }
0xb5: {  	[spmem:s9@s11], [sflag:s15] =	dma.strided [hbm:s25@s12], $0x2000, s10, $0x10   }
0xb6: {  	[tilespmem:s14], [sflag:$0x2] =	stream.strided.gather [hbm4b:s26+s12], $0x4000, s13, s12, $0x38;
	[tilespmem:$0x18080] =	vst v63  }
0xb7: {  	_ =	swait.ge [sflag:s8], $0x4000  }
0xb8: {  	[sflag:s8] =	ssyncset.done $0x0  }
0xb9: {  	[sflag:s8] =	ssyncadd.s32 $0xFFFFC000  }
0xba: {  	_ =	swait.ge [sflag:s16], $0x2000  }
0xbb: {  	[sflag:s16] =	ssyncset.done $0x0  }
0xbc: {  	[sflag:s16] =	ssyncadd.s32 $0xFFFFE000  }
0xbd: {  	[bflag:$0x0] =	sbarrier.arrive $0xFFFF  }
0xbe: {  	[spmem:s2] =	stream.indirect.scatter.add.f32 [tilespmem:s14], [sflag:$0x2], $0x80, s7, s11, $0xb8;
	[tilespmem:$0x18080] =	vst v63  }
0xbf: {  	_ =	swait.ge [sflag:s8], $0x4000  }
0xc0: {  	[sflag:s8] =	ssyncset.done $0x0  }
0xc1: {  	[sflag:s8] =	ssyncadd.s32 $0xFFFFC000  }
0xc2: {  	[bflag:$0x0] =	sbarrier.arrive $0xFFFF  }
0xc3: {  	[tilespmem:s17], [sflag:$0x2] =	stream.indirect.gather [spmem:s2], $0x80, s7, s11, $0xb8;
	[tilespmem:$0x18080] =	vst v63  }
0xc4: {  	_ =	swait.ge [sflag:s8], $0x4000  }
0xc5: {  	[sflag:s8] =	ssyncset.done $0x0  }
.Ltmp1:
0xc6: {  	[sflag:s8] =	ssyncadd.s32 $0xFFFFC000;
	(pc) =	sbr.rel @p0 .LBB2_1-.Ltmp1, $4  }
0xc7: {  	[hbm4b:s28+s12] =	stream.strided.scatter [tilespmem:s17], [sflag:$0x2], $0x4000, s13, s12, $0x38;
	[tilespmem:$0x18080] =	vst v63  }
0xc8: {  	_ =	swait.ge [sflag:s8], $0x4000  }
0xc9: {  	[sflag:s8] =	ssyncset.done $0x0  }
0xca: {  	[sflag:s8] =	ssyncadd.s32 $0xFFFFC000  }
.LBB2_2:
0xcb: {  	[bflag:$0x0] =	sbarrier.arrive $0xFFFF  }
0xcc: {  	_ =	sfence.sel $0x180000  }
0xcd: {  	[bflag:$0x0] =	sbarrier.arrive $0xFFFF  }
0xce: {  	_ =	strace $0x90000047  }
0xcf: {  	[bflag:$0x2] =	sbarrier.arrive $0xFFFF  }
0xd0: {  	p0 =	sne.s32 s1, $0x0;
	s0 =	rddreg [dreg:$0x3]  }
0xd1: {  	s0 =	sadd.s32 @!p0 $0x100000, s0  }
0xd2: {  	[sflag:s0] =	ssyncadd.tile.s32 @!p0 $0x1;
	_ =	shalt  }
.Lfunc_end2:
_tile_overlayer_lowered:
.L_overlay_start_2:
0xd3: {  	(tag) =	ssettag $0x2  }
0xd4: {  	s0 =	rddreg [dreg:$0x0];
	s2 =	stileid.u32  }
0xd5: {  	s1 =	rddreg [dreg:$0x1];
	p0 =	sne.s32 s2, $0x0  }
0xd6: {  	s3 =	rddreg [dreg:$0x2];
	[bflag:$0x3] =	sbarrier.arrive $0xFFFF;
	s2 =	simm.s32 @!p0 $0x1C02  }
0xd7: {  	[timem:s3], [sflag:s2] =	dma.local @!p0 [hbm:s0], s1  }
0xd8: {  	s0 =	simm.s32 @!p0 $0x2  }
0xd9: {  	_ =	swait.ge @!p0 [sflag:s0], s1  }
0xda: {  	s1 =	ssub.s32 @!p0 $0x0, s1;
	[sflag:s0] =	ssyncset.done @!p0 $0x0  }
0xdb: {  	[sflag:s0] =	ssyncadd.s32 @!p0 s1  }
0xdc: {  	[bflag:$0x3] =	sbarrier.arrive $0xFFFF  }
0xdd: {  	_ =	shalt  }

</sc_bundles>
